<compile_context>
chip_gen: v7x
topology: tpu7x:2x2x1
jax: 0.10.2.dev20260603
libtpu: 0.0.44.dev20260713+nightly
codegen_flags: <defaults>
</compile_context>

<pallas_src>
import functools

import jax
import jax.numpy as jnp
from jax import lax
from jax.experimental import pallas as pl
from jax.experimental.pallas import tpu as pltpu
from jax.experimental.pallas import tpu_sc as plsc

_NC = 2
_NS = 16
_NW = _NC * _NS
_CH = 128
_NBUF = 3
_BLK = 256


@functools.lru_cache(maxsize=None)
def _make_gather4(B, D, R):
    bpw = B // _NW
    mesh = plsc.VectorSubcoreMesh(core_axis_name="c", subcore_axis_name="s")

    @functools.partial(
        pl.kernel,
        mesh=mesh,
        out_type=tuple(
            jax.ShapeDtypeStruct((B, D), jnp.float32) for _ in range(4)
        ),
        scratch_types=[
            pltpu.VMEM((4, bpw), jnp.int32),
            pltpu.VMEM((_NBUF, _BLK, D), jnp.float32),
            pltpu.VMEM_SHARED((R, D), jnp.float32),
            pltpu.SemaphoreType.DMA,
            pltpu.SemaphoreType.DMA((_NBUF,)),
            pltpu.SemaphoreType.DMA((_NBUF,)),
        ],
    )
    def gather4(head_h, tail_h, rel_h, neg_h, ent_h, relt_h,
                out_h, out_r, out_t, out_n, idx_v, rows_v, relt_s,
                isem, gsem, ssem):
        cid = lax.axis_index("c")
        sid = lax.axis_index("s")
        wid = sid * _NC + cid
        base = wid * bpw
        tasks = (
            (head_h, ent_h, out_h, 0),
            (rel_h, relt_s, out_r, 1),
            (tail_h, ent_h, out_t, 2),
            (neg_h, ent_h, out_n, 3),
        )
        idx_copies = [
            pltpu.async_copy(idx_h.at[pl.ds(base, bpw)], idx_v.at[t], isem)
            for idx_h, _, _, t in tasks
        ]
        @pl.when(sid == 0)
        def _():
            pltpu.sync_copy(relt_h, relt_s)
        for cp in idx_copies:
            cp.wait()

        gpb = _BLK // _CH
        blk_per_task = bpw // _BLK
        order = (0, 2, 3, 1)
        blocks = [(t, v) for v in range(blk_per_task) for t in order]
        nblocks = len(blocks)
        first_rel = blocks.index((1, 0))

        def block_gathers(b, slot):
            t, v = blocks[b]
            table = tasks[t][1]
            return [
                pltpu.async_copy(
                    table.at[idx_v.at[t, pl.ds(v * _BLK + g * _CH, _CH)]],
                    rows_v.at[slot, pl.ds(g * _CH, _CH)],
                    gsem.at[slot],
                )
                for g in range(gpb)
            ]

        def block_store(b, slot):
            t, v = blocks[b]
            out = tasks[t][2]
            return pltpu.async_copy(
                rows_v.at[slot],
                out.at[pl.ds(base + v * _BLK, _BLK)],
                ssem.at[slot],
            )

        gathers = [None] * nblocks
        stores = [None] * nblocks
        for k in range(nblocks + _NBUF - 1):
            if k < nblocks:
                if k == first_rel:
                    plsc.subcore_barrier()
                slot = k % _NBUF
                if k >= _NBUF:
                    stores[k - _NBUF].wait()
                gathers[k] = block_gathers(k, slot)
            j = k - (_NBUF - 1)
            if 0 <= j < nblocks:
                slot = j % _NBUF
                for g in gathers[j]:
                    g.wait()
                stores[j] = block_store(j, slot)
        for j in range(max(0, nblocks - _NBUF), nblocks):
            stores[j].wait()

    return gather4


def kernel(head, tail, rel, neg, gpu_id, entity_emb, relation_emb):
    B = head.shape[0]
    D = entity_emb.shape[1]
    f = _make_gather4(B, D, relation_emb.shape[0])
    h, r, t, n = f(
        head.astype(jnp.int32),
        tail.astype(jnp.int32),
        rel.astype(jnp.int32),
        neg.astype(jnp.int32),
        entity_emb,
        relation_emb,
    )
    return (h, r, t, n)

# --- scband reference (transcript-rebuilt; emitter-appended) ---
"""Pipeline reference for scband-kgeencoder-8684423872522 (READ-ONLY COPY).

The authoritative reference and input builder live on the scoring server;
editing this copy changes nothing except your own understanding.
"""

import jax, jax.numpy as jnp
import numpy as np

N_ENTITY = 100000
N_RELATION = 1000
HIDDEN_DIM = 128
BATCH = 16384

def setup_inputs(seed: int = 0) -> dict:
    key = jax.random.key(seed)
    ks = jax.random.split(key, 6)
    head = jax.random.randint(ks[0], (BATCH,), 0, N_ENTITY, dtype=jnp.int64) if jax.config.jax_enable_x64 else jax.random.randint(ks[0], (BATCH,), 0, N_ENTITY)
    tail = jax.random.randint(ks[1], (BATCH,), 0, N_ENTITY)
    rel = jax.random.randint(ks[2], (BATCH,), 0, N_RELATION)
    neg = jax.random.randint(ks[3], (BATCH,), 0, N_ENTITY)
    # learned parameters: entity and relation embedding tables (score_func='TransE' -> no doubling)
    entity_emb = jax.random.normal(ks[4], (N_ENTITY, HIDDEN_DIM), dtype=jnp.float32)
    relation_emb = jax.random.normal(ks[5], (N_RELATION, HIDDEN_DIM), dtype=jnp.float32)
    return {"head": head, "tail": tail, "rel": rel, "neg": neg, "gpu_id": -1,
            "entity_emb": entity_emb, "relation_emb": relation_emb}

def reference(head, tail, rel, neg, gpu_id, entity_emb, relation_emb):
    # gpu_id == -1 branch in the original: data stays on host device, no transfer.
    h = jnp.take(entity_emb, head, axis=0)
    t = jnp.take(entity_emb, tail, axis=0)
    r = jnp.take(relation_emb, rel, axis=0)
    n = jnp.take(entity_emb, neg, axis=0)
    # original returns {'head': h, 'rel': r, 'tail': t, 'neg': n}; return as tuple in that order
    return (h, r, t, n)

if __name__ == "__main__":
    import jax
    _d = setup_inputs()
    print(jax.jit(kernel)(*tuple(_d.values())))

</pallas_src>

<mosaic_0001>
#map = affine_map<(d0, d1) -> (0)>
#map1 = affine_map<(d0, d1) -> (0, 0)>
module attributes {stable_mosaic.version = 14 : i64} {
  func.func @gather4(%arg0: i32, %arg1: i32, %arg2: memref<16384xi32, #tpu.memory_space<hbm>>, %arg3: memref<16384xi32, #tpu.memory_space<hbm>>, %arg4: memref<16384xi32, #tpu.memory_space<hbm>>, %arg5: memref<16384xi32, #tpu.memory_space<hbm>>, %arg6: memref<100000x128xf32, #tpu.memory_space<hbm>>, %arg7: memref<1000x128xf32, #tpu.memory_space<hbm>>, %arg8: memref<16384x128xf32, #tpu.memory_space<hbm>>, %arg9: memref<16384x128xf32, #tpu.memory_space<hbm>>, %arg10: memref<16384x128xf32, #tpu.memory_space<hbm>>, %arg11: memref<16384x128xf32, #tpu.memory_space<hbm>>, %arg12: memref<4x512xi32, #tpu.memory_space<vmem>>, %arg13: memref<3x256x128xf32, #tpu.memory_space<vmem>>, %arg14: memref<1000x128xf32, #tpu.memory_space<vmem_shared>>, %arg15: memref<!tpu.dma_semaphore, #tpu.memory_space<semaphore_mem>>, %arg16: memref<3x!tpu.dma_semaphore, #tpu.memory_space<semaphore_mem>>, %arg17: memref<3x!tpu.dma_semaphore, #tpu.memory_space<semaphore_mem>>) attributes {dimension_semantics = [#tpu.dimension_semantics<core_parallel>, #tpu.dimension_semantics<subcore_parallel>], iteration_bounds = array<i64: 2, 16>, scalar_prefetch = 0 : i64, scratch_operands = 6 : i64, tpu.core_type = #tpu.core_type<sc_vector_subcore>, window_params = [{transform_indices = #map}, {transform_indices = #map}, {transform_indices = #map}, {transform_indices = #map}, {transform_indices = #map1}, {transform_indices = #map1}, {transform_indices = #map1}, {transform_indices = #map1}, {transform_indices = #map1}, {transform_indices = #map1}]} {
    %mul3A = arith.constant 2 : i32
    %mul3A_0 = arith.muli %arg1, %mul3A : i32
    %add3A = arith.addi %mul3A_0, %arg0 : i32
    %mul3A_1 = arith.constant 512 : i32
    %mul3A_2 = arith.muli %add3A, %mul3A_1 : i32
    %dma_start3A = arith.constant 0 : i32
    %dma_start3A_3 = arith.constant 0 : i32
    %dma_start3A_4 = tpu.memref_slice %arg12[%dma_start3A, %dma_start3A_3] : memref<4x512xi32, #tpu.memory_space<vmem>> -> memref<1x512xi32, #tpu.memory_space<vmem>>
    %dma_start3A_5 = tpu.memref_squeeze %dma_start3A_4 : memref<1x512xi32, #tpu.memory_space<vmem>> -> memref<512xi32, #tpu.memory_space<vmem>>
    %dma_start3A_6 = tpu.memref_slice %arg2[%mul3A_2] : memref<16384xi32, #tpu.memory_space<hbm>> -> memref<512xi32, #tpu.memory_space<hbm>>
    %dma_start3A_7 = arith.constant 0 : i32
    %dma_start3A_8 = tpu.memref_slice %arg12[%dma_start3A, %dma_start3A_7] : memref<4x512xi32, #tpu.memory_space<vmem>> -> memref<1x512xi32, #tpu.memory_space<vmem>>
    %dma_start3A_9 = tpu.memref_squeeze %dma_start3A_8 : memref<1x512xi32, #tpu.memory_space<vmem>> -> memref<512xi32, #tpu.memory_space<vmem>>
    %dma_start3A_10 = tpu.memref_slice %arg2[%mul3A_2] : memref<16384xi32, #tpu.memory_space<hbm>> -> memref<512xi32, #tpu.memory_space<hbm>>
    tpu.enqueue_dma source(%dma_start3A_10 : memref<512xi32, #tpu.memory_space<hbm>>) target(%dma_start3A_9 : memref<512xi32, #tpu.memory_space<vmem>>) target_semaphore(%arg15 : memref<!tpu.dma_semaphore, #tpu.memory_space<semaphore_mem>>)
    %dma_start3A_11 = arith.constant 1 : i32
    %dma_start3A_12 = arith.constant 0 : i32
    %dma_start3A_13 = tpu.memref_slice %arg12[%dma_start3A_11, %dma_start3A_12] : memref<4x512xi32, #tpu.memory_space<vmem>> -> memref<1x512xi32, #tpu.memory_space<vmem>>
    %dma_start3A_14 = tpu.memref_squeeze %dma_start3A_13 : memref<1x512xi32, #tpu.memory_space<vmem>> -> memref<512xi32, #tpu.memory_space<vmem>>
    %dma_start3A_15 = tpu.memref_slice %arg4[%mul3A_2] : memref<16384xi32, #tpu.memory_space<hbm>> -> memref<512xi32, #tpu.memory_space<hbm>>
    %dma_start3A_16 = arith.constant 0 : i32
    %dma_start3A_17 = tpu.memref_slice %arg12[%dma_start3A_11, %dma_start3A_16] : memref<4x512xi32, #tpu.memory_space<vmem>> -> memref<1x512xi32, #tpu.memory_space<vmem>>
    %dma_start3A_18 = tpu.memref_squeeze %dma_start3A_17 : memref<1x512xi32, #tpu.memory_space<vmem>> -> memref<512xi32, #tpu.memory_space<vmem>>
    %dma_start3A_19 = tpu.memref_slice %arg4[%mul3A_2] : memref<16384xi32, #tpu.memory_space<hbm>> -> memref<512xi32, #tpu.memory_space<hbm>>
    tpu.enqueue_dma source(%dma_start3A_19 : memref<512xi32, #tpu.memory_space<hbm>>) target(%dma_start3A_18 : memref<512xi32, #tpu.memory_space<vmem>>) target_semaphore(%arg15 : memref<!tpu.dma_semaphore, #tpu.memory_space<semaphore_mem>>)
    %dma_start3A_20 = arith.constant 2 : i32
    %dma_start3A_21 = arith.constant 0 : i32
    %dma_start3A_22 = tpu.memref_slice %arg12[%dma_start3A_20, %dma_start3A_21] : memref<4x512xi32, #tpu.memory_space<vmem>> -> memref<1x512xi32, #tpu.memory_space<vmem>>
    %dma_start3A_23 = tpu.memref_squeeze %dma_start3A_22 : memref<1x512xi32, #tpu.memory_space<vmem>> -> memref<512xi32, #tpu.memory_space<vmem>>
    %dma_start3A_24 = tpu.memref_slice %arg3[%mul3A_2] : memref<16384xi32, #tpu.memory_space<hbm>> -> memref<512xi32, #tpu.memory_space<hbm>>
    %dma_start3A_25 = arith.constant 0 : i32
    %dma_start3A_26 = tpu.memref_slice %arg12[%dma_start3A_20, %dma_start3A_25] : memref<4x512xi32, #tpu.memory_space<vmem>> -> memref<1x512xi32, #tpu.memory_space<vmem>>
    %dma_start3A_27 = tpu.memref_squeeze %dma_start3A_26 : memref<1x512xi32, #tpu.memory_space<vmem>> -> memref<512xi32, #tpu.memory_space<vmem>>
    %dma_start3A_28 = tpu.memref_slice %arg3[%mul3A_2] : memref<16384xi32, #tpu.memory_space<hbm>> -> memref<512xi32, #tpu.memory_space<hbm>>
    tpu.enqueue_dma source(%dma_start3A_28 : memref<512xi32, #tpu.memory_space<hbm>>) target(%dma_start3A_27 : memref<512xi32, #tpu.memory_space<vmem>>) target_semaphore(%arg15 : memref<!tpu.dma_semaphore, #tpu.memory_space<semaphore_mem>>)
    %dma_start3A_29 = arith.constant 3 : i32
    %dma_start3A_30 = arith.constant 0 : i32
    %dma_start3A_31 = tpu.memref_slice %arg12[%dma_start3A_29, %dma_start3A_30] : memref<4x512xi32, #tpu.memory_space<vmem>> -> memref<1x512xi32, #tpu.memory_space<vmem>>
    %dma_start3A_32 = tpu.memref_squeeze %dma_start3A_31 : memref<1x512xi32, #tpu.memory_space<vmem>> -> memref<512xi32, #tpu.memory_space<vmem>>
    %dma_start3A_33 = tpu.memref_slice %arg5[%mul3A_2] : memref<16384xi32, #tpu.memory_space<hbm>> -> memref<512xi32, #tpu.memory_space<hbm>>
    %dma_start3A_34 = arith.constant 0 : i32
    %dma_start3A_35 = tpu.memref_slice %arg12[%dma_start3A_29, %dma_start3A_34] : memref<4x512xi32, #tpu.memory_space<vmem>> -> memref<1x512xi32, #tpu.memory_space<vmem>>
    %dma_start3A_36 = tpu.memref_squeeze %dma_start3A_35 : memref<1x512xi32, #tpu.memory_space<vmem>> -> memref<512xi32, #tpu.memory_space<vmem>>
    %dma_start3A_37 = tpu.memref_slice %arg5[%mul3A_2] : memref<16384xi32, #tpu.memory_space<hbm>> -> memref<512xi32, #tpu.memory_space<hbm>>
    tpu.enqueue_dma source(%dma_start3A_37 : memref<512xi32, #tpu.memory_space<hbm>>) target(%dma_start3A_36 : memref<512xi32, #tpu.memory_space<vmem>>) target_semaphore(%arg15 : memref<!tpu.dma_semaphore, #tpu.memory_space<semaphore_mem>>)
    %eq3A = arith.constant 0 : i32
    %eq3A_38 = arith.cmpi eq, %arg1, %eq3A : i32
    %convert_element_type3A = arith.extui %eq3A_38 : i1 to i32
    %cond3A = arith.constant 0 : i32
    %cond3A_39 = arith.cmpi ne, %convert_element_type3A, %cond3A : i32
    scf.if %cond3A_39 {
      "tpu.region"() ({
        %run_scoped3A = tpu.sem_alloc : memref<!tpu.dma_semaphore, #tpu.memory_space<semaphore_mem>>
        tpu.enqueue_dma source(%arg7 : memref<1000x128xf32, #tpu.memory_space<hbm>>) target(%arg14 : memref<1000x128xf32, #tpu.memory_space<vmem_shared>>) target_semaphore(%run_scoped3A : memref<!tpu.dma_semaphore, #tpu.memory_space<semaphore_mem>>)
        tpu.wait_dma2 semaphore(%run_scoped3A : memref<!tpu.dma_semaphore, #tpu.memory_space<semaphore_mem>>) src(%arg7 : memref<1000x128xf32, #tpu.memory_space<hbm>>) dst(%arg14 : memref<1000x128xf32, #tpu.memory_space<vmem_shared>>)
        tpu.yield
      }) : () -> ()
    } else {
    }
    %dma_wait3A = arith.constant 0 : i32
    %dma_wait3A_40 = arith.constant 0 : i32
    %dma_wait3A_41 = tpu.memref_slice %arg12[%dma_wait3A, %dma_wait3A_40] : memref<4x512xi32, #tpu.memory_space<vmem>> -> memref<1x512xi32, #tpu.memory_space<vmem>>
    %dma_wait3A_42 = tpu.memref_squeeze %dma_wait3A_41 : memref<1x512xi32, #tpu.memory_space<vmem>> -> memref<512xi32, #tpu.memory_space<vmem>>
    %dma_wait3A_43 = tpu.memref_slice %arg2[%mul3A_2] : memref<16384xi32, #tpu.memory_space<hbm>> -> memref<512xi32, #tpu.memory_space<hbm>>
    %dma_wait3A_44 = arith.constant 0 : i32
    %dma_wait3A_45 = tpu.memref_slice %arg12[%dma_wait3A, %dma_wait3A_44] : memref<4x512xi32, #tpu.memory_space<vmem>> -> memref<1x512xi32, #tpu.memory_space<vmem>>
    %dma_wait3A_46 = tpu.memref_squeeze %dma_wait3A_45 : memref<1x512xi32, #tpu.memory_space<vmem>> -> memref<512xi32, #tpu.memory_space<vmem>>
    %dma_wait3A_47 = tpu.memref_slice %arg2[%mul3A_2] : memref<16384xi32, #tpu.memory_space<hbm>> -> memref<512xi32, #tpu.memory_space<hbm>>
    tpu.wait_dma2 semaphore(%arg15 : memref<!tpu.dma_semaphore, #tpu.memory_space<semaphore_mem>>) src(%dma_wait3A_47 : memref<512xi32, #tpu.memory_space<hbm>>) dst(%dma_wait3A_46 : memref<512xi32, #tpu.memory_space<vmem>>)
    %dma_wait3A_48 = arith.constant 1 : i32
    %dma_wait3A_49 = arith.constant 0 : i32
    %dma_wait3A_50 = tpu.memref_slice %arg12[%dma_wait3A_48, %dma_wait3A_49] : memref<4x512xi32, #tpu.memory_space<vmem>> -> memref<1x512xi32, #tpu.memory_space<vmem>>
    %dma_wait3A_51 = tpu.memref_squeeze %dma_wait3A_50 : memref<1x512xi32, #tpu.memory_space<vmem>> -> memref<512xi32, #tpu.memory_space<vmem>>
    %dma_wait3A_52 = tpu.memref_slice %arg4[%mul3A_2] : memref<16384xi32, #tpu.memory_space<hbm>> -> memref<512xi32, #tpu.memory_space<hbm>>
    %dma_wait3A_53 = arith.constant 0 : i32
    %dma_wait3A_54 = tpu.memref_slice %arg12[%dma_wait3A_48, %dma_wait3A_53] : memref<4x512xi32, #tpu.memory_space<vmem>> -> memref<1x512xi32, #tpu.memory_space<vmem>>
    %dma_wait3A_55 = tpu.memref_squeeze %dma_wait3A_54 : memref<1x512xi32, #tpu.memory_space<vmem>> -> memref<512xi32, #tpu.memory_space<vmem>>
    %dma_wait3A_56 = tpu.memref_slice %arg4[%mul3A_2] : memref<16384xi32, #tpu.memory_space<hbm>> -> memref<512xi32, #tpu.memory_space<hbm>>
    tpu.wait_dma2 semaphore(%arg15 : memref<!tpu.dma_semaphore, #tpu.memory_space<semaphore_mem>>) src(%dma_wait3A_56 : memref<512xi32, #tpu.memory_space<hbm>>) dst(%dma_wait3A_55 : memref<512xi32, #tpu.memory_space<vmem>>)
    %dma_wait3A_57 = arith.constant 2 : i32
    %dma_wait3A_58 = arith.constant 0 : i32
    %dma_wait3A_59 = tpu.memref_slice %arg12[%dma_wait3A_57, %dma_wait3A_58] : memref<4x512xi32, #tpu.memory_space<vmem>> -> memref<1x512xi32, #tpu.memory_space<vmem>>
    %dma_wait3A_60 = tpu.memref_squeeze %dma_wait3A_59 : memref<1x512xi32, #tpu.memory_space<vmem>> -> memref<512xi32, #tpu.memory_space<vmem>>
    %dma_wait3A_61 = tpu.memref_slice %arg3[%mul3A_2] : memref<16384xi32, #tpu.memory_space<hbm>> -> memref<512xi32, #tpu.memory_space<hbm>>
    %dma_wait3A_62 = arith.constant 0 : i32
    %dma_wait3A_63 = tpu.memref_slice %arg12[%dma_wait3A_57, %dma_wait3A_62] : memref<4x512xi32, #tpu.memory_space<vmem>> -> memref<1x512xi32, #tpu.memory_space<vmem>>
    %dma_wait3A_64 = tpu.memref_squeeze %dma_wait3A_63 : memref<1x512xi32, #tpu.memory_space<vmem>> -> memref<512xi32, #tpu.memory_space<vmem>>
    %dma_wait3A_65 = tpu.memref_slice %arg3[%mul3A_2] : memref<16384xi32, #tpu.memory_space<hbm>> -> memref<512xi32, #tpu.memory_space<hbm>>
    tpu.wait_dma2 semaphore(%arg15 : memref<!tpu.dma_semaphore, #tpu.memory_space<semaphore_mem>>) src(%dma_wait3A_65 : memref<512xi32, #tpu.memory_space<hbm>>) dst(%dma_wait3A_64 : memref<512xi32, #tpu.memory_space<vmem>>)
    %dma_wait3A_66 = arith.constant 3 : i32
    %dma_wait3A_67 = arith.constant 0 : i32
    %dma_wait3A_68 = tpu.memref_slice %arg12[%dma_wait3A_66, %dma_wait3A_67] : memref<4x512xi32, #tpu.memory_space<vmem>> -> memref<1x512xi32, #tpu.memory_space<vmem>>
    %dma_wait3A_69 = tpu.memref_squeeze %dma_wait3A_68 : memref<1x512xi32, #tpu.memory_space<vmem>> -> memref<512xi32, #tpu.memory_space<vmem>>
    %dma_wait3A_70 = tpu.memref_slice %arg5[%mul3A_2] : memref<16384xi32, #tpu.memory_space<hbm>> -> memref<512xi32, #tpu.memory_space<hbm>>
    %dma_wait3A_71 = arith.constant 0 : i32
    %dma_wait3A_72 = tpu.memref_slice %arg12[%dma_wait3A_66, %dma_wait3A_71] : memref<4x512xi32, #tpu.memory_space<vmem>> -> memref<1x512xi32, #tpu.memory_space<vmem>>
    %dma_wait3A_73 = tpu.memref_squeeze %dma_wait3A_72 : memref<1x512xi32, #tpu.memory_space<vmem>> -> memref<512xi32, #tpu.memory_space<vmem>>
    %dma_wait3A_74 = tpu.memref_slice %arg5[%mul3A_2] : memref<16384xi32, #tpu.memory_space<hbm>> -> memref<512xi32, #tpu.memory_space<hbm>>
    tpu.wait_dma2 semaphore(%arg15 : memref<!tpu.dma_semaphore, #tpu.memory_space<semaphore_mem>>) src(%dma_wait3A_74 : memref<512xi32, #tpu.memory_space<hbm>>) dst(%dma_wait3A_73 : memref<512xi32, #tpu.memory_space<vmem>>)
    %dma_start3A_75 = arith.constant 0 : i32
    %dma_start3A_76 = arith.constant 0 : i32
    %dma_start3A_77 = arith.constant 0 : i32
    %dma_start3A_78 = arith.constant 0 : i32
    %dma_start3A_79 = arith.constant 0 : i32
    %dma_start3A_80 = tpu.memref_slice %arg13[%dma_start3A_76, %dma_start3A_78, %dma_start3A_79] : memref<3x256x128xf32, #tpu.memory_space<vmem>> -> memref<1x128x128xf32, #tpu.memory_space<vmem>>
    %dma_start3A_81 = tpu.memref_squeeze %dma_start3A_80 : memref<1x128x128xf32, #tpu.memory_space<vmem>> -> memref<128x128xf32, #tpu.memory_space<vmem>>
    %dma_start3A_82 = arith.constant 0 : i32
    %dma_start3A_83 = tpu.memref_slice %arg12[%dma_start3A_75, %dma_start3A_82] : memref<4x512xi32, #tpu.memory_space<vmem>> -> memref<1x128xi32, #tpu.memory_space<vmem>>
    %dma_start3A_84 = tpu.memref_squeeze %dma_start3A_83 : memref<1x128xi32, #tpu.memory_space<vmem>> -> memref<128xi32, #tpu.memory_space<vmem>>
    %dma_start3A_85 = arith.constant 0 : i32
    %dma_start3A_86 = arith.constant 0 : i32
    %dma_start3A_87 = tpu.memref_slice %arg6[%dma_start3A_85, %dma_start3A_86] : memref<100000x128xf32, #tpu.memory_space<hbm>> -> memref<100000x128xf32, #tpu.memory_space<hbm>>
    %dma_start3A_88 = tpu.memref_slice %arg16[%dma_start3A_77] : memref<3x!tpu.dma_semaphore, #tpu.memory_space<semaphore_mem>> -> memref<1x!tpu.dma_semaphore, #tpu.memory_space<semaphore_mem>>
    %dma_start3A_89 = tpu.memref_squeeze %dma_start3A_88 : memref<1x!tpu.dma_semaphore, #tpu.memory_space<semaphore_mem>> -> memref<!tpu.dma_semaphore, #tpu.memory_space<semaphore_mem>>
    tpu.enqueue_indirect_dma source(%dma_start3A_87 : memref<100000x128xf32, #tpu.memory_space<hbm>>) target(%dma_start3A_81 : memref<128x128xf32, #tpu.memory_space<vmem>>) offsets(%dma_start3A_84 : memref<128xi32, #tpu.memory_space<vmem>>) semaphore(%dma_start3A_89 : memref<!tpu.dma_semaphore, #tpu.memory_space<semaphore_mem>>)
    %dma_start3A_90 = arith.constant 0 : i32
    %dma_start3A_91 = arith.constant 0 : i32
    %dma_start3A_92 = arith.constant 0 : i32
    %dma_start3A_93 = arith.constant 128 : i32
    %dma_start3A_94 = arith.constant 0 : i32
    %dma_start3A_95 = tpu.memref_slice %arg13[%dma_start3A_91, %dma_start3A_93, %dma_start3A_94] : memref<3x256x128xf32, #tpu.memory_space<vmem>> -> memref<1x128x128xf32, #tpu.memory_space<vmem>>
    %dma_start3A_96 = tpu.memref_squeeze %dma_start3A_95 : memref<1x128x128xf32, #tpu.memory_space<vmem>> -> memref<128x128xf32, #tpu.memory_space<vmem>>
    %dma_start3A_97 = arith.constant 128 : i32
    %dma_start3A_98 = tpu.memref_slice %arg12[%dma_start3A_90, %dma_start3A_97] : memref<4x512xi32, #tpu.memory_space<vmem>> -> memref<1x128xi32, #tpu.memory_space<vmem>>
    %dma_start3A_99 = tpu.memref_squeeze %dma_start3A_98 : memref<1x128xi32, #tpu.memory_space<vmem>> -> memref<128xi32, #tpu.memory_space<vmem>>
    %dma_start3A_100 = arith.constant 0 : i32
    %dma_start3A_101 = arith.constant 0 : i32
    %dma_start3A_102 = tpu.memref_slice %arg6[%dma_start3A_100, %dma_start3A_101] : memref<100000x128xf32, #tpu.memory_space<hbm>> -> memref<100000x128xf32, #tpu.memory_space<hbm>>
    %dma_start3A_103 = tpu.memref_slice %arg16[%dma_start3A_92] : memref<3x!tpu.dma_semaphore, #tpu.memory_space<semaphore_mem>> -> memref<1x!tpu.dma_semaphore, #tpu.memory_space<semaphore_mem>>
    %dma_start3A_104 = tpu.memref_squeeze %dma_start3A_103 : memref<1x!tpu.dma_semaphore, #tpu.memory_space<semaphore_mem>> -> memref<!tpu.dma_semaphore, #tpu.memory_space<semaphore_mem>>
    tpu.enqueue_indirect_dma source(%dma_start3A_102 : memref<100000x128xf32, #tpu.memory_space<hbm>>) target(%dma_start3A_96 : memref<128x128xf32, #tpu.memory_space<vmem>>) offsets(%dma_start3A_99 : memref<128xi32, #tpu.memory_space<vmem>>) semaphore(%dma_start3A_104 : memref<!tpu.dma_semaphore, #tpu.memory_space<semaphore_mem>>)
    %dma_start3A_105 = arith.constant 2 : i32
    %dma_start3A_106 = arith.constant 1 : i32
    %dma_start3A_107 = arith.constant 1 : i32
    %dma_start3A_108 = arith.constant 0 : i32
    %dma_start3A_109 = arith.constant 0 : i32
    %dma_start3A_110 = tpu.memref_slice %arg13[%dma_start3A_106, %dma_start3A_108, %dma_start3A_109] : memref<3x256x128xf32, #tpu.memory_space<vmem>> -> memref<1x128x128xf32, #tpu.memory_space<vmem>>
    %dma_start3A_111 = tpu.memref_squeeze %dma_start3A_110 : memref<1x128x128xf32, #tpu.memory_space<vmem>> -> memref<128x128xf32, #tpu.memory_space<vmem>>
    %dma_start3A_112 = arith.constant 0 : i32
    %dma_start3A_113 = tpu.memref_slice %arg12[%dma_start3A_105, %dma_start3A_112] : memref<4x512xi32, #tpu.memory_space<vmem>> -> memref<1x128xi32, #tpu.memory_space<vmem>>
    %dma_start3A_114 = tpu.memref_squeeze %dma_start3A_113 : memref<1x128xi32, #tpu.memory_space<vmem>> -> memref<128xi32, #tpu.memory_space<vmem>>
    %dma_start3A_115 = arith.constant 0 : i32
    %dma_start3A_116 = arith.constant 0 : i32
    %dma_start3A_117 = tpu.memref_slice %arg6[%dma_start3A_115, %dma_start3A_116] : memref<100000x128xf32, #tpu.memory_space<hbm>> -> memref<100000x128xf32, #tpu.memory_space<hbm>>
    %dma_start3A_118 = tpu.memref_slice %arg16[%dma_start3A_107] : memref<3x!tpu.dma_semaphore, #tpu.memory_space<semaphore_mem>> -> memref<1x!tpu.dma_semaphore, #tpu.memory_space<semaphore_mem>>
    %dma_start3A_119 = tpu.memref_squeeze %dma_start3A_118 : memref<1x!tpu.dma_semaphore, #tpu.memory_space<semaphore_mem>> -> memref<!tpu.dma_semaphore, #tpu.memory_space<semaphore_mem>>
    tpu.enqueue_indirect_dma source(%dma_start3A_117 : memref<100000x128xf32, #tpu.memory_space<hbm>>) target(%dma_start3A_111 : memref<128x128xf32, #tpu.memory_space<vmem>>) offsets(%dma_start3A_114 : memref<128xi32, #tpu.memory_space<vmem>>) semaphore(%dma_start3A_119 : memref<!tpu.dma_semaphore, #tpu.memory_space<semaphore_mem>>)
    %dma_start3A_120 = arith.constant 2 : i32
    %dma_start3A_121 = arith.constant 1 : i32
    %dma_start3A_122 = arith.constant 1 : i32
    %dma_start3A_123 = arith.constant 128 : i32
    %dma_start3A_124 = arith.constant 0 : i32
    %dma_start3A_125 = tpu.memref_slice %arg13[%dma_start3A_121, %dma_start3A_123, %dma_start3A_124] : memref<3x256x128xf32, #tpu.memory_space<vmem>> -> memref<1x128x128xf32, #tpu.memory_space<vmem>>
    %dma_start3A_126 = tpu.memref_squeeze %dma_start3A_125 : memref<1x128x128xf32, #tpu.memory_space<vmem>> -> memref<128x128xf32, #tpu.memory_space<vmem>>
    %dma_start3A_127 = arith.constant 128 : i32
    %dma_start3A_128 = tpu.memref_slice %arg12[%dma_start3A_120, %dma_start3A_127] : memref<4x512xi32, #tpu.memory_space<vmem>> -> memref<1x128xi32, #tpu.memory_space<vmem>>
    %dma_start3A_129 = tpu.memref_squeeze %dma_start3A_128 : memref<1x128xi32, #tpu.memory_space<vmem>> -> memref<128xi32, #tpu.memory_space<vmem>>
    %dma_start3A_130 = arith.constant 0 : i32
    %dma_start3A_131 = arith.constant 0 : i32
    %dma_start3A_132 = tpu.memref_slice %arg6[%dma_start3A_130, %dma_start3A_131] : memref<100000x128xf32, #tpu.memory_space<hbm>> -> memref<100000x128xf32, #tpu.memory_space<hbm>>
    %dma_start3A_133 = tpu.memref_slice %arg16[%dma_start3A_122] : memref<3x!tpu.dma_semaphore, #tpu.memory_space<semaphore_mem>> -> memref<1x!tpu.dma_semaphore, #tpu.memory_space<semaphore_mem>>
    %dma_start3A_134 = tpu.memref_squeeze %dma_start3A_133 : memref<1x!tpu.dma_semaphore, #tpu.memory_space<semaphore_mem>> -> memref<!tpu.dma_semaphore, #tpu.memory_space<semaphore_mem>>
    tpu.enqueue_indirect_dma source(%dma_start3A_132 : memref<100000x128xf32, #tpu.memory_space<hbm>>) target(%dma_start3A_126 : memref<128x128xf32, #tpu.memory_space<vmem>>) offsets(%dma_start3A_129 : memref<128xi32, #tpu.memory_space<vmem>>) semaphore(%dma_start3A_134 : memref<!tpu.dma_semaphore, #tpu.memory_space<semaphore_mem>>)
    %dma_start3A_135 = arith.constant 3 : i32
    %dma_start3A_136 = arith.constant 2 : i32
    %dma_start3A_137 = arith.constant 2 : i32
    %dma_start3A_138 = arith.constant 0 : i32
    %dma_start3A_139 = arith.constant 0 : i32
    %dma_start3A_140 = tpu.memref_slice %arg13[%dma_start3A_136, %dma_start3A_138, %dma_start3A_139] : memref<3x256x128xf32, #tpu.memory_space<vmem>> -> memref<1x128x128xf32, #tpu.memory_space<vmem>>
    %dma_start3A_141 = tpu.memref_squeeze %dma_start3A_140 : memref<1x128x128xf32, #tpu.memory_space<vmem>> -> memref<128x128xf32, #tpu.memory_space<vmem>>
    %dma_start3A_142 = arith.constant 0 : i32
    %dma_start3A_143 = tpu.memref_slice %arg12[%dma_start3A_135, %dma_start3A_142] : memref<4x512xi32, #tpu.memory_space<vmem>> -> memref<1x128xi32, #tpu.memory_space<vmem>>
    %dma_start3A_144 = tpu.memref_squeeze %dma_start3A_143 : memref<1x128xi32, #tpu.memory_space<vmem>> -> memref<128xi32, #tpu.memory_space<vmem>>
    %dma_start3A_145 = arith.constant 0 : i32
    %dma_start3A_146 = arith.constant 0 : i32
    %dma_start3A_147 = tpu.memref_slice %arg6[%dma_start3A_145, %dma_start3A_146] : memref<100000x128xf32, #tpu.memory_space<hbm>> -> memref<100000x128xf32, #tpu.memory_space<hbm>>
    %dma_start3A_148 = tpu.memref_slice %arg16[%dma_start3A_137] : memref<3x!tpu.dma_semaphore, #tpu.memory_space<semaphore_mem>> -> memref<1x!tpu.dma_semaphore, #tpu.memory_space<semaphore_mem>>
    %dma_start3A_149 = tpu.memref_squeeze %dma_start3A_148 : memref<1x!tpu.dma_semaphore, #tpu.memory_space<semaphore_mem>> -> memref<!tpu.dma_semaphore, #tpu.memory_space<semaphore_mem>>
    tpu.enqueue_indirect_dma source(%dma_start3A_147 : memref<100000x128xf32, #tpu.memory_space<hbm>>) target(%dma_start3A_141 : memref<128x128xf32, #tpu.memory_space<vmem>>) offsets(%dma_start3A_144 : memref<128xi32, #tpu.memory_space<vmem>>) semaphore(%dma_start3A_149 : memref<!tpu.dma_semaphore, #tpu.memory_space<semaphore_mem>>)
    %dma_start3A_150 = arith.constant 3 : i32
    %dma_start3A_151 = arith.constant 2 : i32
    %dma_start3A_152 = arith.constant 2 : i32
    %dma_start3A_153 = arith.constant 128 : i32
    %dma_start3A_154 = arith.constant 0 : i32
    %dma_start3A_155 = tpu.memref_slice %arg13[%dma_start3A_151, %dma_start3A_153, %dma_start3A_154] : memref<3x256x128xf32, #tpu.memory_space<vmem>> -> memref<1x128x128xf32, #tpu.memory_space<vmem>>
    %dma_start3A_156 = tpu.memref_squeeze %dma_start3A_155 : memref<1x128x128xf32, #tpu.memory_space<vmem>> -> memref<128x128xf32, #tpu.memory_space<vmem>>
    %dma_start3A_157 = arith.constant 128 : i32
    %dma_start3A_158 = tpu.memref_slice %arg12[%dma_start3A_150, %dma_start3A_157] : memref<4x512xi32, #tpu.memory_space<vmem>> -> memref<1x128xi32, #tpu.memory_space<vmem>>
    %dma_start3A_159 = tpu.memref_squeeze %dma_start3A_158 : memref<1x128xi32, #tpu.memory_space<vmem>> -> memref<128xi32, #tpu.memory_space<vmem>>
    %dma_start3A_160 = arith.constant 0 : i32
    %dma_start3A_161 = arith.constant 0 : i32
    %dma_start3A_162 = tpu.memref_slice %arg6[%dma_start3A_160, %dma_start3A_161] : memref<100000x128xf32, #tpu.memory_space<hbm>> -> memref<100000x128xf32, #tpu.memory_space<hbm>>
    %dma_start3A_163 = tpu.memref_slice %arg16[%dma_start3A_152] : memref<3x!tpu.dma_semaphore, #tpu.memory_space<semaphore_mem>> -> memref<1x!tpu.dma_semaphore, #tpu.memory_space<semaphore_mem>>
    %dma_start3A_164 = tpu.memref_squeeze %dma_start3A_163 : memref<1x!tpu.dma_semaphore, #tpu.memory_space<semaphore_mem>> -> memref<!tpu.dma_semaphore, #tpu.memory_space<semaphore_mem>>
    tpu.enqueue_indirect_dma source(%dma_start3A_162 : memref<100000x128xf32, #tpu.memory_space<hbm>>) target(%dma_start3A_156 : memref<128x128xf32, #tpu.memory_space<vmem>>) offsets(%dma_start3A_159 : memref<128xi32, #tpu.memory_space<vmem>>) semaphore(%dma_start3A_164 : memref<!tpu.dma_semaphore, #tpu.memory_space<semaphore_mem>>)
    %dma_wait3A_165 = arith.constant 0 : i32
    %dma_wait3A_166 = arith.constant 0 : i32
    %dma_wait3A_167 = arith.constant 0 : i32
    %dma_wait3A_168 = arith.constant 0 : i32
    %dma_wait3A_169 = arith.constant 0 : i32
    %dma_wait3A_170 = tpu.memref_slice %arg13[%dma_wait3A_166, %dma_wait3A_168, %dma_wait3A_169] : memref<3x256x128xf32, #tpu.memory_space<vmem>> -> memref<1x128x128xf32, #tpu.memory_space<vmem>>
    %dma_wait3A_171 = tpu.memref_squeeze %dma_wait3A_170 : memref<1x128x128xf32, #tpu.memory_space<vmem>> -> memref<128x128xf32, #tpu.memory_space<vmem>>
    %dma_wait3A_172 = arith.constant 0 : i32
    %dma_wait3A_173 = tpu.memref_slice %arg12[%dma_wait3A_165, %dma_wait3A_172] : memref<4x512xi32, #tpu.memory_space<vmem>> -> memref<1x128xi32, #tpu.memory_space<vmem>>
    %dma_wait3A_174 = tpu.memref_squeeze %dma_wait3A_173 : memref<1x128xi32, #tpu.memory_space<vmem>> -> memref<128xi32, #tpu.memory_space<vmem>>
    %dma_wait3A_175 = arith.constant 0 : i32
    %dma_wait3A_176 = arith.constant 0 : i32
    %dma_wait3A_177 = tpu.memref_slice %arg6[%dma_wait3A_175, %dma_wait3A_176] : memref<100000x128xf32, #tpu.memory_space<hbm>> -> memref<100000x128xf32, #tpu.memory_space<hbm>>
    %dma_wait3A_178 = tpu.memref_slice %arg16[%dma_wait3A_167] : memref<3x!tpu.dma_semaphore, #tpu.memory_space<semaphore_mem>> -> memref<1x!tpu.dma_semaphore, #tpu.memory_space<semaphore_mem>>
    %dma_wait3A_179 = tpu.memref_squeeze %dma_wait3A_178 : memref<1x!tpu.dma_semaphore, #tpu.memory_space<semaphore_mem>> -> memref<!tpu.dma_semaphore, #tpu.memory_space<semaphore_mem>>
    tpu.wait_indirect_dma semaphore(%dma_wait3A_179 : memref<!tpu.dma_semaphore, #tpu.memory_space<semaphore_mem>>) src(%dma_wait3A_177 : memref<100000x128xf32, #tpu.memory_space<hbm>>) dst(%dma_wait3A_171 : memref<128x128xf32, #tpu.memory_space<vmem>>)
    %dma_wait3A_180 = arith.constant 0 : i32
    %dma_wait3A_181 = arith.constant 0 : i32
    %dma_wait3A_182 = arith.constant 0 : i32
    %dma_wait3A_183 = arith.constant 128 : i32
    %dma_wait3A_184 = arith.constant 0 : i32
    %dma_wait3A_185 = tpu.memref_slice %arg13[%dma_wait3A_181, %dma_wait3A_183, %dma_wait3A_184] : memref<3x256x128xf32, #tpu.memory_space<vmem>> -> memref<1x128x128xf32, #tpu.memory_space<vmem>>
    %dma_wait3A_186 = tpu.memref_squeeze %dma_wait3A_185 : memref<1x128x128xf32, #tpu.memory_space<vmem>> -> memref<128x128xf32, #tpu.memory_space<vmem>>
    %dma_wait3A_187 = arith.constant 128 : i32
    %dma_wait3A_188 = tpu.memref_slice %arg12[%dma_wait3A_180, %dma_wait3A_187] : memref<4x512xi32, #tpu.memory_space<vmem>> -> memref<1x128xi32, #tpu.memory_space<vmem>>
    %dma_wait3A_189 = tpu.memref_squeeze %dma_wait3A_188 : memref<1x128xi32, #tpu.memory_space<vmem>> -> memref<128xi32, #tpu.memory_space<vmem>>
    %dma_wait3A_190 = arith.constant 0 : i32
    %dma_wait3A_191 = arith.constant 0 : i32
    %dma_wait3A_192 = tpu.memref_slice %arg6[%dma_wait3A_190, %dma_wait3A_191] : memref<100000x128xf32, #tpu.memory_space<hbm>> -> memref<100000x128xf32, #tpu.memory_space<hbm>>
    %dma_wait3A_193 = tpu.memref_slice %arg16[%dma_wait3A_182] : memref<3x!tpu.dma_semaphore, #tpu.memory_space<semaphore_mem>> -> memref<1x!tpu.dma_semaphore, #tpu.memory_space<semaphore_mem>>
    %dma_wait3A_194 = tpu.memref_squeeze %dma_wait3A_193 : memref<1x!tpu.dma_semaphore, #tpu.memory_space<semaphore_mem>> -> memref<!tpu.dma_semaphore, #tpu.memory_space<semaphore_mem>>
    tpu.wait_indirect_dma semaphore(%dma_wait3A_194 : memref<!tpu.dma_semaphore, #tpu.memory_space<semaphore_mem>>) src(%dma_wait3A_192 : memref<100000x128xf32, #tpu.memory_space<hbm>>) dst(%dma_wait3A_186 : memref<128x128xf32, #tpu.memory_space<vmem>>)
    %add3A_195 = arith.constant 0 : i32
    %add3A_196 = arith.addi %mul3A_2, %add3A_195 : i32
    %dma_start3A_197 = arith.constant 0 : i32
    %dma_start3A_198 = arith.constant 0 : i32
    %dma_start3A_199 = arith.constant 0 : i32
    %dma_start3A_200 = arith.constant 0 : i32
    %dma_start3A_201 = tpu.memref_slice %arg13[%dma_start3A_197, %dma_start3A_199, %dma_start3A_200] : memref<3x256x128xf32, #tpu.memory_space<vmem>> -> memref<1x256x128xf32, #tpu.memory_space<vmem>>
    %dma_start3A_202 = tpu.memref_squeeze %dma_start3A_201 : memref<1x256x128xf32, #tpu.memory_space<vmem>> -> memref<256x128xf32, #tpu.memory_space<vmem>>
    %dma_start3A_203 = arith.constant 0 : i32
    %dma_start3A_204 = tpu.memref_slice %arg8[%add3A_196, %dma_start3A_203] : memref<16384x128xf32, #tpu.memory_space<hbm>> -> memref<256x128xf32, #tpu.memory_space<hbm>>
    %dma_start3A_205 = tpu.memref_slice %arg17[%dma_start3A_198] : memref<3x!tpu.dma_semaphore, #tpu.memory_space<semaphore_mem>> -> memref<1x!tpu.dma_semaphore, #tpu.memory_space<semaphore_mem>>
    %dma_start3A_206 = tpu.memref_squeeze %dma_start3A_205 : memref<1x!tpu.dma_semaphore, #tpu.memory_space<semaphore_mem>> -> memref<!tpu.dma_semaphore, #tpu.memory_space<semaphore_mem>>
    %dma_start3A_207 = arith.constant 0 : i32
    %dma_start3A_208 = tpu.memref_slice %arg8[%add3A_196, %dma_start3A_207] : memref<16384x128xf32, #tpu.memory_space<hbm>> -> memref<256x128xf32, #tpu.memory_space<hbm>>
    %dma_start3A_209 = arith.constant 0 : i32
    %dma_start3A_210 = arith.constant 0 : i32
    %dma_start3A_211 = tpu.memref_slice %arg13[%dma_start3A_197, %dma_start3A_209, %dma_start3A_210] : memref<3x256x128xf32, #tpu.memory_space<vmem>> -> memref<1x256x128xf32, #tpu.memory_space<vmem>>
    %dma_start3A_212 = tpu.memref_squeeze %dma_start3A_211 : memref<1x256x128xf32, #tpu.memory_space<vmem>> -> memref<256x128xf32, #tpu.memory_space<vmem>>
    tpu.enqueue_dma source(%dma_start3A_212 : memref<256x128xf32, #tpu.memory_space<vmem>>) target(%dma_start3A_208 : memref<256x128xf32, #tpu.memory_space<hbm>>) target_semaphore(%dma_start3A_206 : memref<!tpu.dma_semaphore, #tpu.memory_space<semaphore_mem>>)
    %barrier3A = arith.constant 0 : index
    tpu.barrier barrier_id(%barrier3A)
    %dma_wait3A_213 = arith.constant 0 : i32
    %dma_wait3A_214 = arith.constant 0 : i32
    %dma_wait3A_215 = arith.constant 0 : i32
    %dma_wait3A_216 = arith.constant 0 : i32
    %dma_wait3A_217 = tpu.memref_slice %arg13[%dma_wait3A_213, %dma_wait3A_215, %dma_wait3A_216] : memref<3x256x128xf32, #tpu.memory_space<vmem>> -> memref<1x256x128xf32, #tpu.memory_space<vmem>>
    %dma_wait3A_218 = tpu.memref_squeeze %dma_wait3A_217 : memref<1x256x128xf32, #tpu.memory_space<vmem>> -> memref<256x128xf32, #tpu.memory_space<vmem>>
    %dma_wait3A_219 = arith.constant 0 : i32
    %dma_wait3A_220 = tpu.memref_slice %arg8[%add3A_196, %dma_wait3A_219] : memref<16384x128xf32, #tpu.memory_space<hbm>> -> memref<256x128xf32, #tpu.memory_space<hbm>>
    %dma_wait3A_221 = tpu.memref_slice %arg17[%dma_wait3A_214] : memref<3x!tpu.dma_semaphore, #tpu.memory_space<semaphore_mem>> -> memref<1x!tpu.dma_semaphore, #tpu.memory_space<semaphore_mem>>
    %dma_wait3A_222 = tpu.memref_squeeze %dma_wait3A_221 : memref<1x!tpu.dma_semaphore, #tpu.memory_space<semaphore_mem>> -> memref<!tpu.dma_semaphore, #tpu.memory_space<semaphore_mem>>
    %dma_wait3A_223 = arith.constant 0 : i32
    %dma_wait3A_224 = tpu.memref_slice %arg8[%add3A_196, %dma_wait3A_223] : memref<16384x128xf32, #tpu.memory_space<hbm>> -> memref<256x128xf32, #tpu.memory_space<hbm>>
    %dma_wait3A_225 = arith.constant 0 : i32
    %dma_wait3A_226 = arith.constant 0 : i32
    %dma_wait3A_227 = tpu.memref_slice %arg13[%dma_wait3A_213, %dma_wait3A_225, %dma_wait3A_226] : memref<3x256x128xf32, #tpu.memory_space<vmem>> -> memref<1x256x128xf32, #tpu.memory_space<vmem>>
    %dma_wait3A_228 = tpu.memref_squeeze %dma_wait3A_227 : memref<1x256x128xf32, #tpu.memory_space<vmem>> -> memref<256x128xf32, #tpu.memory_space<vmem>>
    tpu.wait_dma2 semaphore(%dma_wait3A_222 : memref<!tpu.dma_semaphore, #tpu.memory_space<semaphore_mem>>) src(%dma_wait3A_228 : memref<256x128xf32, #tpu.memory_space<vmem>>) dst(%dma_wait3A_224 : memref<256x128xf32, #tpu.memory_space<hbm>>)
    %dma_start3A_229 = arith.constant 1 : i32
    %dma_start3A_230 = arith.constant 0 : i32
    %dma_start3A_231 = arith.constant 0 : i32
    %dma_start3A_232 = arith.constant 0 : i32
    %dma_start3A_233 = arith.constant 0 : i32
    %dma_start3A_234 = tpu.memref_slice %arg13[%dma_start3A_230, %dma_start3A_232, %dma_start3A_233] : memref<3x256x128xf32, #tpu.memory_space<vmem>> -> memref<1x128x128xf32, #tpu.memory_space<vmem>>
    %dma_start3A_235 = tpu.memref_squeeze %dma_start3A_234 : memref<1x128x128xf32, #tpu.memory_space<vmem>> -> memref<128x128xf32, #tpu.memory_space<vmem>>
    %dma_start3A_236 = arith.constant 0 : i32
    %dma_start3A_237 = tpu.memref_slice %arg12[%dma_start3A_229, %dma_start3A_236] : memref<4x512xi32, #tpu.memory_space<vmem>> -> memref<1x128xi32, #tpu.memory_space<vmem>>
    %dma_start3A_238 = tpu.memref_squeeze %dma_start3A_237 : memref<1x128xi32, #tpu.memory_space<vmem>> -> memref<128xi32, #tpu.memory_space<vmem>>
    %dma_start3A_239 = arith.constant 0 : i32
    %dma_start3A_240 = arith.constant 0 : i32
    %dma_start3A_241 = tpu.memref_slice %arg14[%dma_start3A_239, %dma_start3A_240] : memref<1000x128xf32, #tpu.memory_space<vmem_shared>> -> memref<1000x128xf32, #tpu.memory_space<vmem_shared>>
    %dma_start3A_242 = tpu.memref_slice %arg16[%dma_start3A_231] : memref<3x!tpu.dma_semaphore, #tpu.memory_space<semaphore_mem>> -> memref<1x!tpu.dma_semaphore, #tpu.memory_space<semaphore_mem>>
    %dma_start3A_243 = tpu.memref_squeeze %dma_start3A_242 : memref<1x!tpu.dma_semaphore, #tpu.memory_space<semaphore_mem>> -> memref<!tpu.dma_semaphore, #tpu.memory_space<semaphore_mem>>
    tpu.enqueue_indirect_dma source(%dma_start3A_241 : memref<1000x128xf32, #tpu.memory_space<vmem_shared>>) target(%dma_start3A_235 : memref<128x128xf32, #tpu.memory_space<vmem>>) offsets(%dma_start3A_238 : memref<128xi32, #tpu.memory_space<vmem>>) semaphore(%dma_start3A_243 : memref<!tpu.dma_semaphore, #tpu.memory_space<semaphore_mem>>)
    %dma_start3A_244 = arith.constant 1 : i32
    %dma_start3A_245 = arith.constant 0 : i32
    %dma_start3A_246 = arith.constant 0 : i32
    %dma_start3A_247 = arith.constant 128 : i32
    %dma_start3A_248 = arith.constant 0 : i32
    %dma_start3A_249 = tpu.memref_slice %arg13[%dma_start3A_245, %dma_start3A_247, %dma_start3A_248] : memref<3x256x128xf32, #tpu.memory_space<vmem>> -> memref<1x128x128xf32, #tpu.memory_space<vmem>>
    %dma_start3A_250 = tpu.memref_squeeze %dma_start3A_249 : memref<1x128x128xf32, #tpu.memory_space<vmem>> -> memref<128x128xf32, #tpu.memory_space<vmem>>
    %dma_start3A_251 = arith.constant 128 : i32
    %dma_start3A_252 = tpu.memref_slice %arg12[%dma_start3A_244, %dma_start3A_251] : memref<4x512xi32, #tpu.memory_space<vmem>> -> memref<1x128xi32, #tpu.memory_space<vmem>>
    %dma_start3A_253 = tpu.memref_squeeze %dma_start3A_252 : memref<1x128xi32, #tpu.memory_space<vmem>> -> memref<128xi32, #tpu.memory_space<vmem>>
    %dma_start3A_254 = arith.constant 0 : i32
    %dma_start3A_255 = arith.constant 0 : i32
    %dma_start3A_256 = tpu.memref_slice %arg14[%dma_start3A_254, %dma_start3A_255] : memref<1000x128xf32, #tpu.memory_space<vmem_shared>> -> memref<1000x128xf32, #tpu.memory_space<vmem_shared>>
    %dma_start3A_257 = tpu.memref_slice %arg16[%dma_start3A_246] : memref<3x!tpu.dma_semaphore, #tpu.memory_space<semaphore_mem>> -> memref<1x!tpu.dma_semaphore, #tpu.memory_space<semaphore_mem>>
    %dma_start3A_258 = tpu.memref_squeeze %dma_start3A_257 : memref<1x!tpu.dma_semaphore, #tpu.memory_space<semaphore_mem>> -> memref<!tpu.dma_semaphore, #tpu.memory_space<semaphore_mem>>
    tpu.enqueue_indirect_dma source(%dma_start3A_256 : memref<1000x128xf32, #tpu.memory_space<vmem_shared>>) target(%dma_start3A_250 : memref<128x128xf32, #tpu.memory_space<vmem>>) offsets(%dma_start3A_253 : memref<128xi32, #tpu.memory_space<vmem>>) semaphore(%dma_start3A_258 : memref<!tpu.dma_semaphore, #tpu.memory_space<semaphore_mem>>)
    %dma_wait3A_259 = arith.constant 2 : i32
    %dma_wait3A_260 = arith.constant 1 : i32
    %dma_wait3A_261 = arith.constant 1 : i32
    %dma_wait3A_262 = arith.constant 0 : i32
    %dma_wait3A_263 = arith.constant 0 : i32
    %dma_wait3A_264 = tpu.memref_slice %arg13[%dma_wait3A_260, %dma_wait3A_262, %dma_wait3A_263] : memref<3x256x128xf32, #tpu.memory_space<vmem>> -> memref<1x128x128xf32, #tpu.memory_space<vmem>>
    %dma_wait3A_265 = tpu.memref_squeeze %dma_wait3A_264 : memref<1x128x128xf32, #tpu.memory_space<vmem>> -> memref<128x128xf32, #tpu.memory_space<vmem>>
    %dma_wait3A_266 = arith.constant 0 : i32
    %dma_wait3A_267 = tpu.memref_slice %arg12[%dma_wait3A_259, %dma_wait3A_266] : memref<4x512xi32, #tpu.memory_space<vmem>> -> memref<1x128xi32, #tpu.memory_space<vmem>>
    %dma_wait3A_268 = tpu.memref_squeeze %dma_wait3A_267 : memref<1x128xi32, #tpu.memory_space<vmem>> -> memref<128xi32, #tpu.memory_space<vmem>>
    %dma_wait3A_269 = arith.constant 0 : i32
    %dma_wait3A_270 = arith.constant 0 : i32
    %dma_wait3A_271 = tpu.memref_slice %arg6[%dma_wait3A_269, %dma_wait3A_270] : memref<100000x128xf32, #tpu.memory_space<hbm>> -> memref<100000x128xf32, #tpu.memory_space<hbm>>
    %dma_wait3A_272 = tpu.memref_slice %arg16[%dma_wait3A_261] : memref<3x!tpu.dma_semaphore, #tpu.memory_space<semaphore_mem>> -> memref<1x!tpu.dma_semaphore, #tpu.memory_space<semaphore_mem>>
    %dma_wait3A_273 = tpu.memref_squeeze %dma_wait3A_272 : memref<1x!tpu.dma_semaphore, #tpu.memory_space<semaphore_mem>> -> memref<!tpu.dma_semaphore, #tpu.memory_space<semaphore_mem>>
    tpu.wait_indirect_dma semaphore(%dma_wait3A_273 : memref<!tpu.dma_semaphore, #tpu.memory_space<semaphore_mem>>) src(%dma_wait3A_271 : memref<100000x128xf32, #tpu.memory_space<hbm>>) dst(%dma_wait3A_265 : memref<128x128xf32, #tpu.memory_space<vmem>>)
    %dma_wait3A_274 = arith.constant 2 : i32
    %dma_wait3A_275 = arith.constant 1 : i32
    %dma_wait3A_276 = arith.constant 1 : i32
    %dma_wait3A_277 = arith.constant 128 : i32
    %dma_wait3A_278 = arith.constant 0 : i32
    %dma_wait3A_279 = tpu.memref_slice %arg13[%dma_wait3A_275, %dma_wait3A_277, %dma_wait3A_278] : memref<3x256x128xf32, #tpu.memory_space<vmem>> -> memref<1x128x128xf32, #tpu.memory_space<vmem>>
    %dma_wait3A_280 = tpu.memref_squeeze %dma_wait3A_279 : memref<1x128x128xf32, #tpu.memory_space<vmem>> -> memref<128x128xf32, #tpu.memory_space<vmem>>
    %dma_wait3A_281 = arith.constant 128 : i32
    %dma_wait3A_282 = tpu.memref_slice %arg12[%dma_wait3A_274, %dma_wait3A_281] : memref<4x512xi32, #tpu.memory_space<vmem>> -> memref<1x128xi32, #tpu.memory_space<vmem>>
    %dma_wait3A_283 = tpu.memref_squeeze %dma_wait3A_282 : memref<1x128xi32, #tpu.memory_space<vmem>> -> memref<128xi32, #tpu.memory_space<vmem>>
    %dma_wait3A_284 = arith.constant 0 : i32
    %dma_wait3A_285 = arith.constant 0 : i32
    %dma_wait3A_286 = tpu.memref_slice %arg6[%dma_wait3A_284, %dma_wait3A_285] : memref<100000x128xf32, #tpu.memory_space<hbm>> -> memref<100000x128xf32, #tpu.memory_space<hbm>>
    %dma_wait3A_287 = tpu.memref_slice %arg16[%dma_wait3A_276] : memref<3x!tpu.dma_semaphore, #tpu.memory_space<semaphore_mem>> -> memref<1x!tpu.dma_semaphore, #tpu.memory_space<semaphore_mem>>
    %dma_wait3A_288 = tpu.memref_squeeze %dma_wait3A_287 : memref<1x!tpu.dma_semaphore, #tpu.memory_space<semaphore_mem>> -> memref<!tpu.dma_semaphore, #tpu.memory_space<semaphore_mem>>
    tpu.wait_indirect_dma semaphore(%dma_wait3A_288 : memref<!tpu.dma_semaphore, #tpu.memory_space<semaphore_mem>>) src(%dma_wait3A_286 : memref<100000x128xf32, #tpu.memory_space<hbm>>) dst(%dma_wait3A_280 : memref<128x128xf32, #tpu.memory_space<vmem>>)
    %add3A_289 = arith.constant 0 : i32
    %add3A_290 = arith.addi %mul3A_2, %add3A_289 : i32
    %dma_start3A_291 = arith.constant 1 : i32
    %dma_start3A_292 = arith.constant 1 : i32
    %dma_start3A_293 = arith.constant 0 : i32
    %dma_start3A_294 = arith.constant 0 : i32
    %dma_start3A_295 = tpu.memref_slice %arg13[%dma_start3A_291, %dma_start3A_293, %dma_start3A_294] : memref<3x256x128xf32, #tpu.memory_space<vmem>> -> memref<1x256x128xf32, #tpu.memory_space<vmem>>
    %dma_start3A_296 = tpu.memref_squeeze %dma_start3A_295 : memref<1x256x128xf32, #tpu.memory_space<vmem>> -> memref<256x128xf32, #tpu.memory_space<vmem>>
    %dma_start3A_297 = arith.constant 0 : i32
    %dma_start3A_298 = tpu.memref_slice %arg10[%add3A_290, %dma_start3A_297] : memref<16384x128xf32, #tpu.memory_space<hbm>> -> memref<256x128xf32, #tpu.memory_space<hbm>>
    %dma_start3A_299 = tpu.memref_slice %arg17[%dma_start3A_292] : memref<3x!tpu.dma_semaphore, #tpu.memory_space<semaphore_mem>> -> memref<1x!tpu.dma_semaphore, #tpu.memory_space<semaphore_mem>>
    %dma_start3A_300 = tpu.memref_squeeze %dma_start3A_299 : memref<1x!tpu.dma_semaphore, #tpu.memory_space<semaphore_mem>> -> memref<!tpu.dma_semaphore, #tpu.memory_space<semaphore_mem>>
    %dma_start3A_301 = arith.constant 0 : i32
    %dma_start3A_302 = tpu.memref_slice %arg10[%add3A_290, %dma_start3A_301] : memref<16384x128xf32, #tpu.memory_space<hbm>> -> memref<256x128xf32, #tpu.memory_space<hbm>>
    %dma_start3A_303 = arith.constant 0 : i32
    %dma_start3A_304 = arith.constant 0 : i32
    %dma_start3A_305 = tpu.memref_slice %arg13[%dma_start3A_291, %dma_start3A_303, %dma_start3A_304] : memref<3x256x128xf32, #tpu.memory_space<vmem>> -> memref<1x256x128xf32, #tpu.memory_space<vmem>>
    %dma_start3A_306 = tpu.memref_squeeze %dma_start3A_305 : memref<1x256x128xf32, #tpu.memory_space<vmem>> -> memref<256x128xf32, #tpu.memory_space<vmem>>
    tpu.enqueue_dma source(%dma_start3A_306 : memref<256x128xf32, #tpu.memory_space<vmem>>) target(%dma_start3A_302 : memref<256x128xf32, #tpu.memory_space<hbm>>) target_semaphore(%dma_start3A_300 : memref<!tpu.dma_semaphore, #tpu.memory_space<semaphore_mem>>)
    %dma_wait3A_307 = arith.constant 1 : i32
    %dma_wait3A_308 = arith.constant 1 : i32
    %dma_wait3A_309 = arith.constant 0 : i32
    %dma_wait3A_310 = arith.constant 0 : i32
    %dma_wait3A_311 = tpu.memref_slice %arg13[%dma_wait3A_307, %dma_wait3A_309, %dma_wait3A_310] : memref<3x256x128xf32, #tpu.memory_space<vmem>> -> memref<1x256x128xf32, #tpu.memory_space<vmem>>
    %dma_wait3A_312 = tpu.memref_squeeze %dma_wait3A_311 : memref<1x256x128xf32, #tpu.memory_space<vmem>> -> memref<256x128xf32, #tpu.memory_space<vmem>>
    %dma_wait3A_313 = arith.constant 0 : i32
    %dma_wait3A_314 = tpu.memref_slice %arg10[%add3A_290, %dma_wait3A_313] : memref<16384x128xf32, #tpu.memory_space<hbm>> -> memref<256x128xf32, #tpu.memory_space<hbm>>
    %dma_wait3A_315 = tpu.memref_slice %arg17[%dma_wait3A_308] : memref<3x!tpu.dma_semaphore, #tpu.memory_space<semaphore_mem>> -> memref<1x!tpu.dma_semaphore, #tpu.memory_space<semaphore_mem>>
    %dma_wait3A_316 = tpu.memref_squeeze %dma_wait3A_315 : memref<1x!tpu.dma_semaphore, #tpu.memory_space<semaphore_mem>> -> memref<!tpu.dma_semaphore, #tpu.memory_space<semaphore_mem>>
    %dma_wait3A_317 = arith.constant 0 : i32
    %dma_wait3A_318 = tpu.memref_slice %arg10[%add3A_290, %dma_wait3A_317] : memref<16384x128xf32, #tpu.memory_space<hbm>> -> memref<256x128xf32, #tpu.memory_space<hbm>>
    %dma_wait3A_319 = arith.constant 0 : i32
    %dma_wait3A_320 = arith.constant 0 : i32
    %dma_wait3A_321 = tpu.memref_slice %arg13[%dma_wait3A_307, %dma_wait3A_319, %dma_wait3A_320] : memref<3x256x128xf32, #tpu.memory_space<vmem>> -> memref<1x256x128xf32, #tpu.memory_space<vmem>>
    %dma_wait3A_322 = tpu.memref_squeeze %dma_wait3A_321 : memref<1x256x128xf32, #tpu.memory_space<vmem>> -> memref<256x128xf32, #tpu.memory_space<vmem>>
    tpu.wait_dma2 semaphore(%dma_wait3A_316 : memref<!tpu.dma_semaphore, #tpu.memory_space<semaphore_mem>>) src(%dma_wait3A_322 : memref<256x128xf32, #tpu.memory_space<vmem>>) dst(%dma_wait3A_318 : memref<256x128xf32, #tpu.memory_space<hbm>>)
    %dma_start3A_323 = arith.constant 0 : i32
    %dma_start3A_324 = arith.constant 1 : i32
    %dma_start3A_325 = arith.constant 1 : i32
    %dma_start3A_326 = arith.constant 0 : i32
    %dma_start3A_327 = arith.constant 0 : i32
    %dma_start3A_328 = tpu.memref_slice %arg13[%dma_start3A_324, %dma_start3A_326, %dma_start3A_327] : memref<3x256x128xf32, #tpu.memory_space<vmem>> -> memref<1x128x128xf32, #tpu.memory_space<vmem>>
    %dma_start3A_329 = tpu.memref_squeeze %dma_start3A_328 : memref<1x128x128xf32, #tpu.memory_space<vmem>> -> memref<128x128xf32, #tpu.memory_space<vmem>>
    %dma_start3A_330 = arith.constant 256 : i32
    %dma_start3A_331 = tpu.memref_slice %arg12[%dma_start3A_323, %dma_start3A_330] : memref<4x512xi32, #tpu.memory_space<vmem>> -> memref<1x128xi32, #tpu.memory_space<vmem>>
    %dma_start3A_332 = tpu.memref_squeeze %dma_start3A_331 : memref<1x128xi32, #tpu.memory_space<vmem>> -> memref<128xi32, #tpu.memory_space<vmem>>
    %dma_start3A_333 = arith.constant 0 : i32
    %dma_start3A_334 = arith.constant 0 : i32
    %dma_start3A_335 = tpu.memref_slice %arg6[%dma_start3A_333, %dma_start3A_334] : memref<100000x128xf32, #tpu.memory_space<hbm>> -> memref<100000x128xf32, #tpu.memory_space<hbm>>
    %dma_start3A_336 = tpu.memref_slice %arg16[%dma_start3A_325] : memref<3x!tpu.dma_semaphore, #tpu.memory_space<semaphore_mem>> -> memref<1x!tpu.dma_semaphore, #tpu.memory_space<semaphore_mem>>
    %dma_start3A_337 = tpu.memref_squeeze %dma_start3A_336 : memref<1x!tpu.dma_semaphore, #tpu.memory_space<semaphore_mem>> -> memref<!tpu.dma_semaphore, #tpu.memory_space<semaphore_mem>>
    tpu.enqueue_indirect_dma source(%dma_start3A_335 : memref<100000x128xf32, #tpu.memory_space<hbm>>) target(%dma_start3A_329 : memref<128x128xf32, #tpu.memory_space<vmem>>) offsets(%dma_start3A_332 : memref<128xi32, #tpu.memory_space<vmem>>) semaphore(%dma_start3A_337 : memref<!tpu.dma_semaphore, #tpu.memory_space<semaphore_mem>>)
    %dma_start3A_338 = arith.constant 0 : i32
    %dma_start3A_339 = arith.constant 1 : i32
    %dma_start3A_340 = arith.constant 1 : i32
    %dma_start3A_341 = arith.constant 128 : i32
    %dma_start3A_342 = arith.constant 0 : i32
    %dma_start3A_343 = tpu.memref_slice %arg13[%dma_start3A_339, %dma_start3A_341, %dma_start3A_342] : memref<3x256x128xf32, #tpu.memory_space<vmem>> -> memref<1x128x128xf32, #tpu.memory_space<vmem>>
    %dma_start3A_344 = tpu.memref_squeeze %dma_start3A_343 : memref<1x128x128xf32, #tpu.memory_space<vmem>> -> memref<128x128xf32, #tpu.memory_space<vmem>>
    %dma_start3A_345 = arith.constant 384 : i32
    %dma_start3A_346 = tpu.memref_slice %arg12[%dma_start3A_338, %dma_start3A_345] : memref<4x512xi32, #tpu.memory_space<vmem>> -> memref<1x128xi32, #tpu.memory_space<vmem>>
    %dma_start3A_347 = tpu.memref_squeeze %dma_start3A_346 : memref<1x128xi32, #tpu.memory_space<vmem>> -> memref<128xi32, #tpu.memory_space<vmem>>
    %dma_start3A_348 = arith.constant 0 : i32
    %dma_start3A_349 = arith.constant 0 : i32
    %dma_start3A_350 = tpu.memref_slice %arg6[%dma_start3A_348, %dma_start3A_349] : memref<100000x128xf32, #tpu.memory_space<hbm>> -> memref<100000x128xf32, #tpu.memory_space<hbm>>
    %dma_start3A_351 = tpu.memref_slice %arg16[%dma_start3A_340] : memref<3x!tpu.dma_semaphore, #tpu.memory_space<semaphore_mem>> -> memref<1x!tpu.dma_semaphore, #tpu.memory_space<semaphore_mem>>
    %dma_start3A_352 = tpu.memref_squeeze %dma_start3A_351 : memref<1x!tpu.dma_semaphore, #tpu.memory_space<semaphore_mem>> -> memref<!tpu.dma_semaphore, #tpu.memory_space<semaphore_mem>>
    tpu.enqueue_indirect_dma source(%dma_start3A_350 : memref<100000x128xf32, #tpu.memory_space<hbm>>) target(%dma_start3A_344 : memref<128x128xf32, #tpu.memory_space<vmem>>) offsets(%dma_start3A_347 : memref<128xi32, #tpu.memory_space<vmem>>) semaphore(%dma_start3A_352 : memref<!tpu.dma_semaphore, #tpu.memory_space<semaphore_mem>>)
    %dma_wait3A_353 = arith.constant 3 : i32
    %dma_wait3A_354 = arith.constant 2 : i32
    %dma_wait3A_355 = arith.constant 2 : i32
    %dma_wait3A_356 = arith.constant 0 : i32
    %dma_wait3A_357 = arith.constant 0 : i32
    %dma_wait3A_358 = tpu.memref_slice %arg13[%dma_wait3A_354, %dma_wait3A_356, %dma_wait3A_357] : memref<3x256x128xf32, #tpu.memory_space<vmem>> -> memref<1x128x128xf32, #tpu.memory_space<vmem>>
    %dma_wait3A_359 = tpu.memref_squeeze %dma_wait3A_358 : memref<1x128x128xf32, #tpu.memory_space<vmem>> -> memref<128x128xf32, #tpu.memory_space<vmem>>
    %dma_wait3A_360 = arith.constant 0 : i32
    %dma_wait3A_361 = tpu.memref_slice %arg12[%dma_wait3A_353, %dma_wait3A_360] : memref<4x512xi32, #tpu.memory_space<vmem>> -> memref<1x128xi32, #tpu.memory_space<vmem>>
    %dma_wait3A_362 = tpu.memref_squeeze %dma_wait3A_361 : memref<1x128xi32, #tpu.memory_space<vmem>> -> memref<128xi32, #tpu.memory_space<vmem>>
    %dma_wait3A_363 = arith.constant 0 : i32
    %dma_wait3A_364 = arith.constant 0 : i32
    %dma_wait3A_365 = tpu.memref_slice %arg6[%dma_wait3A_363, %dma_wait3A_364] : memref<100000x128xf32, #tpu.memory_space<hbm>> -> memref<100000x128xf32, #tpu.memory_space<hbm>>
    %dma_wait3A_366 = tpu.memref_slice %arg16[%dma_wait3A_355] : memref<3x!tpu.dma_semaphore, #tpu.memory_space<semaphore_mem>> -> memref<1x!tpu.dma_semaphore, #tpu.memory_space<semaphore_mem>>
    %dma_wait3A_367 = tpu.memref_squeeze %dma_wait3A_366 : memref<1x!tpu.dma_semaphore, #tpu.memory_space<semaphore_mem>> -> memref<!tpu.dma_semaphore, #tpu.memory_space<semaphore_mem>>
    tpu.wait_indirect_dma semaphore(%dma_wait3A_367 : memref<!tpu.dma_semaphore, #tpu.memory_space<semaphore_mem>>) src(%dma_wait3A_365 : memref<100000x128xf32, #tpu.memory_space<hbm>>) dst(%dma_wait3A_359 : memref<128x128xf32, #tpu.memory_space<vmem>>)
    %dma_wait3A_368 = arith.constant 3 : i32
    %dma_wait3A_369 = arith.constant 2 : i32
    %dma_wait3A_370 = arith.constant 2 : i32
    %dma_wait3A_371 = arith.constant 128 : i32
    %dma_wait3A_372 = arith.constant 0 : i32
    %dma_wait3A_373 = tpu.memref_slice %arg13[%dma_wait3A_369, %dma_wait3A_371, %dma_wait3A_372] : memref<3x256x128xf32, #tpu.memory_space<vmem>> -> memref<1x128x128xf32, #tpu.memory_space<vmem>>
    %dma_wait3A_374 = tpu.memref_squeeze %dma_wait3A_373 : memref<1x128x128xf32, #tpu.memory_space<vmem>> -> memref<128x128xf32, #tpu.memory_space<vmem>>
    %dma_wait3A_375 = arith.constant 128 : i32
    %dma_wait3A_376 = tpu.memref_slice %arg12[%dma_wait3A_368, %dma_wait3A_375] : memref<4x512xi32, #tpu.memory_space<vmem>> -> memref<1x128xi32, #tpu.memory_space<vmem>>
    %dma_wait3A_377 = tpu.memref_squeeze %dma_wait3A_376 : memref<1x128xi32, #tpu.memory_space<vmem>> -> memref<128xi32, #tpu.memory_space<vmem>>
    %dma_wait3A_378 = arith.constant 0 : i32
    %dma_wait3A_379 = arith.constant 0 : i32
    %dma_wait3A_380 = tpu.memref_slice %arg6[%dma_wait3A_378, %dma_wait3A_379] : memref<100000x128xf32, #tpu.memory_space<hbm>> -> memref<100000x128xf32, #tpu.memory_space<hbm>>
    %dma_wait3A_381 = tpu.memref_slice %arg16[%dma_wait3A_370] : memref<3x!tpu.dma_semaphore, #tpu.memory_space<semaphore_mem>> -> memref<1x!tpu.dma_semaphore, #tpu.memory_space<semaphore_mem>>
    %dma_wait3A_382 = tpu.memref_squeeze %dma_wait3A_381 : memref<1x!tpu.dma_semaphore, #tpu.memory_space<semaphore_mem>> -> memref<!tpu.dma_semaphore, #tpu.memory_space<semaphore_mem>>
    tpu.wait_indirect_dma semaphore(%dma_wait3A_382 : memref<!tpu.dma_semaphore, #tpu.memory_space<semaphore_mem>>) src(%dma_wait3A_380 : memref<100000x128xf32, #tpu.memory_space<hbm>>) dst(%dma_wait3A_374 : memref<128x128xf32, #tpu.memory_space<vmem>>)
    %add3A_383 = arith.constant 0 : i32
    %add3A_384 = arith.addi %mul3A_2, %add3A_383 : i32
    %dma_start3A_385 = arith.constant 2 : i32
    %dma_start3A_386 = arith.constant 2 : i32
    %dma_start3A_387 = arith.constant 0 : i32
    %dma_start3A_388 = arith.constant 0 : i32
    %dma_start3A_389 = tpu.memref_slice %arg13[%dma_start3A_385, %dma_start3A_387, %dma_start3A_388] : memref<3x256x128xf32, #tpu.memory_space<vmem>> -> memref<1x256x128xf32, #tpu.memory_space<vmem>>
    %dma_start3A_390 = tpu.memref_squeeze %dma_start3A_389 : memref<1x256x128xf32, #tpu.memory_space<vmem>> -> memref<256x128xf32, #tpu.memory_space<vmem>>
    %dma_start3A_391 = arith.constant 0 : i32
    %dma_start3A_392 = tpu.memref_slice %arg11[%add3A_384, %dma_start3A_391] : memref<16384x128xf32, #tpu.memory_space<hbm>> -> memref<256x128xf32, #tpu.memory_space<hbm>>
    %dma_start3A_393 = tpu.memref_slice %arg17[%dma_start3A_386] : memref<3x!tpu.dma_semaphore, #tpu.memory_space<semaphore_mem>> -> memref<1x!tpu.dma_semaphore, #tpu.memory_space<semaphore_mem>>
    %dma_start3A_394 = tpu.memref_squeeze %dma_start3A_393 : memref<1x!tpu.dma_semaphore, #tpu.memory_space<semaphore_mem>> -> memref<!tpu.dma_semaphore, #tpu.memory_space<semaphore_mem>>
    %dma_start3A_395 = arith.constant 0 : i32
    %dma_start3A_396 = tpu.memref_slice %arg11[%add3A_384, %dma_start3A_395] : memref<16384x128xf32, #tpu.memory_space<hbm>> -> memref<256x128xf32, #tpu.memory_space<hbm>>
    %dma_start3A_397 = arith.constant 0 : i32
    %dma_start3A_398 = arith.constant 0 : i32
    %dma_start3A_399 = tpu.memref_slice %arg13[%dma_start3A_385, %dma_start3A_397, %dma_start3A_398] : memref<3x256x128xf32, #tpu.memory_space<vmem>> -> memref<1x256x128xf32, #tpu.memory_space<vmem>>
    %dma_start3A_400 = tpu.memref_squeeze %dma_start3A_399 : memref<1x256x128xf32, #tpu.memory_space<vmem>> -> memref<256x128xf32, #tpu.memory_space<vmem>>
    tpu.enqueue_dma source(%dma_start3A_400 : memref<256x128xf32, #tpu.memory_space<vmem>>) target(%dma_start3A_396 : memref<256x128xf32, #tpu.memory_space<hbm>>) target_semaphore(%dma_start3A_394 : memref<!tpu.dma_semaphore, #tpu.memory_space<semaphore_mem>>)
    %dma_wait3A_401 = arith.constant 2 : i32
    %dma_wait3A_402 = arith.constant 2 : i32
    %dma_wait3A_403 = arith.constant 0 : i32
    %dma_wait3A_404 = arith.constant 0 : i32
    %dma_wait3A_405 = tpu.memref_slice %arg13[%dma_wait3A_401, %dma_wait3A_403, %dma_wait3A_404] : memref<3x256x128xf32, #tpu.memory_space<vmem>> -> memref<1x256x128xf32, #tpu.memory_space<vmem>>
    %dma_wait3A_406 = tpu.memref_squeeze %dma_wait3A_405 : memref<1x256x128xf32, #tpu.memory_space<vmem>> -> memref<256x128xf32, #tpu.memory_space<vmem>>
    %dma_wait3A_407 = arith.constant 0 : i32
    %dma_wait3A_408 = tpu.memref_slice %arg11[%add3A_384, %dma_wait3A_407] : memref<16384x128xf32, #tpu.memory_space<hbm>> -> memref<256x128xf32, #tpu.memory_space<hbm>>
    %dma_wait3A_409 = tpu.memref_slice %arg17[%dma_wait3A_402] : memref<3x!tpu.dma_semaphore, #tpu.memory_space<semaphore_mem>> -> memref<1x!tpu.dma_semaphore, #tpu.memory_space<semaphore_mem>>
    %dma_wait3A_410 = tpu.memref_squeeze %dma_wait3A_409 : memref<1x!tpu.dma_semaphore, #tpu.memory_space<semaphore_mem>> -> memref<!tpu.dma_semaphore, #tpu.memory_space<semaphore_mem>>
    %dma_wait3A_411 = arith.constant 0 : i32
    %dma_wait3A_412 = tpu.memref_slice %arg11[%add3A_384, %dma_wait3A_411] : memref<16384x128xf32, #tpu.memory_space<hbm>> -> memref<256x128xf32, #tpu.memory_space<hbm>>
    %dma_wait3A_413 = arith.constant 0 : i32
    %dma_wait3A_414 = arith.constant 0 : i32
    %dma_wait3A_415 = tpu.memref_slice %arg13[%dma_wait3A_401, %dma_wait3A_413, %dma_wait3A_414] : memref<3x256x128xf32, #tpu.memory_space<vmem>> -> memref<1x256x128xf32, #tpu.memory_space<vmem>>
    %dma_wait3A_416 = tpu.memref_squeeze %dma_wait3A_415 : memref<1x256x128xf32, #tpu.memory_space<vmem>> -> memref<256x128xf32, #tpu.memory_space<vmem>>
    tpu.wait_dma2 semaphore(%dma_wait3A_410 : memref<!tpu.dma_semaphore, #tpu.memory_space<semaphore_mem>>) src(%dma_wait3A_416 : memref<256x128xf32, #tpu.memory_space<vmem>>) dst(%dma_wait3A_412 : memref<256x128xf32, #tpu.memory_space<hbm>>)
    %dma_start3A_417 = arith.constant 2 : i32
    %dma_start3A_418 = arith.constant 2 : i32
    %dma_start3A_419 = arith.constant 2 : i32
    %dma_start3A_420 = arith.constant 0 : i32
    %dma_start3A_421 = arith.constant 0 : i32
    %dma_start3A_422 = tpu.memref_slice %arg13[%dma_start3A_418, %dma_start3A_420, %dma_start3A_421] : memref<3x256x128xf32, #tpu.memory_space<vmem>> -> memref<1x128x128xf32, #tpu.memory_space<vmem>>
    %dma_start3A_423 = tpu.memref_squeeze %dma_start3A_422 : memref<1x128x128xf32, #tpu.memory_space<vmem>> -> memref<128x128xf32, #tpu.memory_space<vmem>>
    %dma_start3A_424 = arith.constant 256 : i32
    %dma_start3A_425 = tpu.memref_slice %arg12[%dma_start3A_417, %dma_start3A_424] : memref<4x512xi32, #tpu.memory_space<vmem>> -> memref<1x128xi32, #tpu.memory_space<vmem>>
    %dma_start3A_426 = tpu.memref_squeeze %dma_start3A_425 : memref<1x128xi32, #tpu.memory_space<vmem>> -> memref<128xi32, #tpu.memory_space<vmem>>
    %dma_start3A_427 = arith.constant 0 : i32
    %dma_start3A_428 = arith.constant 0 : i32
    %dma_start3A_429 = tpu.memref_slice %arg6[%dma_start3A_427, %dma_start3A_428] : memref<100000x128xf32, #tpu.memory_space<hbm>> -> memref<100000x128xf32, #tpu.memory_space<hbm>>
    %dma_start3A_430 = tpu.memref_slice %arg16[%dma_start3A_419] : memref<3x!tpu.dma_semaphore, #tpu.memory_space<semaphore_mem>> -> memref<1x!tpu.dma_semaphore, #tpu.memory_space<semaphore_mem>>
    %dma_start3A_431 = tpu.memref_squeeze %dma_start3A_430 : memref<1x!tpu.dma_semaphore, #tpu.memory_space<semaphore_mem>> -> memref<!tpu.dma_semaphore, #tpu.memory_space<semaphore_mem>>
    tpu.enqueue_indirect_dma source(%dma_start3A_429 : memref<100000x128xf32, #tpu.memory_space<hbm>>) target(%dma_start3A_423 : memref<128x128xf32, #tpu.memory_space<vmem>>) offsets(%dma_start3A_426 : memref<128xi32, #tpu.memory_space<vmem>>) semaphore(%dma_start3A_431 : memref<!tpu.dma_semaphore, #tpu.memory_space<semaphore_mem>>)
    %dma_start3A_432 = arith.constant 2 : i32
    %dma_start3A_433 = arith.constant 2 : i32
    %dma_start3A_434 = arith.constant 2 : i32
    %dma_start3A_435 = arith.constant 128 : i32
    %dma_start3A_436 = arith.constant 0 : i32
    %dma_start3A_437 = tpu.memref_slice %arg13[%dma_start3A_433, %dma_start3A_435, %dma_start3A_436] : memref<3x256x128xf32, #tpu.memory_space<vmem>> -> memref<1x128x128xf32, #tpu.memory_space<vmem>>
    %dma_start3A_438 = tpu.memref_squeeze %dma_start3A_437 : memref<1x128x128xf32, #tpu.memory_space<vmem>> -> memref<128x128xf32, #tpu.memory_space<vmem>>
    %dma_start3A_439 = arith.constant 384 : i32
    %dma_start3A_440 = tpu.memref_slice %arg12[%dma_start3A_432, %dma_start3A_439] : memref<4x512xi32, #tpu.memory_space<vmem>> -> memref<1x128xi32, #tpu.memory_space<vmem>>
    %dma_start3A_441 = tpu.memref_squeeze %dma_start3A_440 : memref<1x128xi32, #tpu.memory_space<vmem>> -> memref<128xi32, #tpu.memory_space<vmem>>
    %dma_start3A_442 = arith.constant 0 : i32
    %dma_start3A_443 = arith.constant 0 : i32
    %dma_start3A_444 = tpu.memref_slice %arg6[%dma_start3A_442, %dma_start3A_443] : memref<100000x128xf32, #tpu.memory_space<hbm>> -> memref<100000x128xf32, #tpu.memory_space<hbm>>
    %dma_start3A_445 = tpu.memref_slice %arg16[%dma_start3A_434] : memref<3x!tpu.dma_semaphore, #tpu.memory_space<semaphore_mem>> -> memref<1x!tpu.dma_semaphore, #tpu.memory_space<semaphore_mem>>
    %dma_start3A_446 = tpu.memref_squeeze %dma_start3A_445 : memref<1x!tpu.dma_semaphore, #tpu.memory_space<semaphore_mem>> -> memref<!tpu.dma_semaphore, #tpu.memory_space<semaphore_mem>>
    tpu.enqueue_indirect_dma source(%dma_start3A_444 : memref<100000x128xf32, #tpu.memory_space<hbm>>) target(%dma_start3A_438 : memref<128x128xf32, #tpu.memory_space<vmem>>) offsets(%dma_start3A_441 : memref<128xi32, #tpu.memory_space<vmem>>) semaphore(%dma_start3A_446 : memref<!tpu.dma_semaphore, #tpu.memory_space<semaphore_mem>>)
    %dma_wait3A_447 = arith.constant 1 : i32
    %dma_wait3A_448 = arith.constant 0 : i32
    %dma_wait3A_449 = arith.constant 0 : i32
    %dma_wait3A_450 = arith.constant 0 : i32
    %dma_wait3A_451 = arith.constant 0 : i32
    %dma_wait3A_452 = tpu.memref_slice %arg13[%dma_wait3A_448, %dma_wait3A_450, %dma_wait3A_451] : memref<3x256x128xf32, #tpu.memory_space<vmem>> -> memref<1x128x128xf32, #tpu.memory_space<vmem>>
    %dma_wait3A_453 = tpu.memref_squeeze %dma_wait3A_452 : memref<1x128x128xf32, #tpu.memory_space<vmem>> -> memref<128x128xf32, #tpu.memory_space<vmem>>
    %dma_wait3A_454 = arith.constant 0 : i32
    %dma_wait3A_455 = tpu.memref_slice %arg12[%dma_wait3A_447, %dma_wait3A_454] : memref<4x512xi32, #tpu.memory_space<vmem>> -> memref<1x128xi32, #tpu.memory_space<vmem>>
    %dma_wait3A_456 = tpu.memref_squeeze %dma_wait3A_455 : memref<1x128xi32, #tpu.memory_space<vmem>> -> memref<128xi32, #tpu.memory_space<vmem>>
    %dma_wait3A_457 = arith.constant 0 : i32
    %dma_wait3A_458 = arith.constant 0 : i32
    %dma_wait3A_459 = tpu.memref_slice %arg14[%dma_wait3A_457, %dma_wait3A_458] : memref<1000x128xf32, #tpu.memory_space<vmem_shared>> -> memref<1000x128xf32, #tpu.memory_space<vmem_shared>>
    %dma_wait3A_460 = tpu.memref_slice %arg16[%dma_wait3A_449] : memref<3x!tpu.dma_semaphore, #tpu.memory_space<semaphore_mem>> -> memref<1x!tpu.dma_semaphore, #tpu.memory_space<semaphore_mem>>
    %dma_wait3A_461 = tpu.memref_squeeze %dma_wait3A_460 : memref<1x!tpu.dma_semaphore, #tpu.memory_space<semaphore_mem>> -> memref<!tpu.dma_semaphore, #tpu.memory_space<semaphore_mem>>
    tpu.wait_indirect_dma semaphore(%dma_wait3A_461 : memref<!tpu.dma_semaphore, #tpu.memory_space<semaphore_mem>>) src(%dma_wait3A_459 : memref<1000x128xf32, #tpu.memory_space<vmem_shared>>) dst(%dma_wait3A_453 : memref<128x128xf32, #tpu.memory_space<vmem>>)
    %dma_wait3A_462 = arith.constant 1 : i32
    %dma_wait3A_463 = arith.constant 0 : i32
    %dma_wait3A_464 = arith.constant 0 : i32
    %dma_wait3A_465 = arith.constant 128 : i32
    %dma_wait3A_466 = arith.constant 0 : i32
    %dma_wait3A_467 = tpu.memref_slice %arg13[%dma_wait3A_463, %dma_wait3A_465, %dma_wait3A_466] : memref<3x256x128xf32, #tpu.memory_space<vmem>> -> memref<1x128x128xf32, #tpu.memory_space<vmem>>
    %dma_wait3A_468 = tpu.memref_squeeze %dma_wait3A_467 : memref<1x128x128xf32, #tpu.memory_space<vmem>> -> memref<128x128xf32, #tpu.memory_space<vmem>>
    %dma_wait3A_469 = arith.constant 128 : i32
    %dma_wait3A_470 = tpu.memref_slice %arg12[%dma_wait3A_462, %dma_wait3A_469] : memref<4x512xi32, #tpu.memory_space<vmem>> -> memref<1x128xi32, #tpu.memory_space<vmem>>
    %dma_wait3A_471 = tpu.memref_squeeze %dma_wait3A_470 : memref<1x128xi32, #tpu.memory_space<vmem>> -> memref<128xi32, #tpu.memory_space<vmem>>
    %dma_wait3A_472 = arith.constant 0 : i32
    %dma_wait3A_473 = arith.constant 0 : i32
    %dma_wait3A_474 = tpu.memref_slice %arg14[%dma_wait3A_472, %dma_wait3A_473] : memref<1000x128xf32, #tpu.memory_space<vmem_shared>> -> memref<1000x128xf32, #tpu.memory_space<vmem_shared>>
    %dma_wait3A_475 = tpu.memref_slice %arg16[%dma_wait3A_464] : memref<3x!tpu.dma_semaphore, #tpu.memory_space<semaphore_mem>> -> memref<1x!tpu.dma_semaphore, #tpu.memory_space<semaphore_mem>>
    %dma_wait3A_476 = tpu.memref_squeeze %dma_wait3A_475 : memref<1x!tpu.dma_semaphore, #tpu.memory_space<semaphore_mem>> -> memref<!tpu.dma_semaphore, #tpu.memory_space<semaphore_mem>>
    tpu.wait_indirect_dma semaphore(%dma_wait3A_476 : memref<!tpu.dma_semaphore, #tpu.memory_space<semaphore_mem>>) src(%dma_wait3A_474 : memref<1000x128xf32, #tpu.memory_space<vmem_shared>>) dst(%dma_wait3A_468 : memref<128x128xf32, #tpu.memory_space<vmem>>)
    %add3A_477 = arith.constant 0 : i32
    %add3A_478 = arith.addi %mul3A_2, %add3A_477 : i32
    %dma_start3A_479 = arith.constant 0 : i32
    %dma_start3A_480 = arith.constant 0 : i32
    %dma_start3A_481 = arith.constant 0 : i32
    %dma_start3A_482 = arith.constant 0 : i32
    %dma_start3A_483 = tpu.memref_slice %arg13[%dma_start3A_479, %dma_start3A_481, %dma_start3A_482] : memref<3x256x128xf32, #tpu.memory_space<vmem>> -> memref<1x256x128xf32, #tpu.memory_space<vmem>>
    %dma_start3A_484 = tpu.memref_squeeze %dma_start3A_483 : memref<1x256x128xf32, #tpu.memory_space<vmem>> -> memref<256x128xf32, #tpu.memory_space<vmem>>
    %dma_start3A_485 = arith.constant 0 : i32
    %dma_start3A_486 = tpu.memref_slice %arg9[%add3A_478, %dma_start3A_485] : memref<16384x128xf32, #tpu.memory_space<hbm>> -> memref<256x128xf32, #tpu.memory_space<hbm>>
    %dma_start3A_487 = tpu.memref_slice %arg17[%dma_start3A_480] : memref<3x!tpu.dma_semaphore, #tpu.memory_space<semaphore_mem>> -> memref<1x!tpu.dma_semaphore, #tpu.memory_space<semaphore_mem>>
    %dma_start3A_488 = tpu.memref_squeeze %dma_start3A_487 : memref<1x!tpu.dma_semaphore, #tpu.memory_space<semaphore_mem>> -> memref<!tpu.dma_semaphore, #tpu.memory_space<semaphore_mem>>
    %dma_start3A_489 = arith.constant 0 : i32
    %dma_start3A_490 = tpu.memref_slice %arg9[%add3A_478, %dma_start3A_489] : memref<16384x128xf32, #tpu.memory_space<hbm>> -> memref<256x128xf32, #tpu.memory_space<hbm>>
    %dma_start3A_491 = arith.constant 0 : i32
    %dma_start3A_492 = arith.constant 0 : i32
    %dma_start3A_493 = tpu.memref_slice %arg13[%dma_start3A_479, %dma_start3A_491, %dma_start3A_492] : memref<3x256x128xf32, #tpu.memory_space<vmem>> -> memref<1x256x128xf32, #tpu.memory_space<vmem>>
    %dma_start3A_494 = tpu.memref_squeeze %dma_start3A_493 : memref<1x256x128xf32, #tpu.memory_space<vmem>> -> memref<256x128xf32, #tpu.memory_space<vmem>>
    tpu.enqueue_dma source(%dma_start3A_494 : memref<256x128xf32, #tpu.memory_space<vmem>>) target(%dma_start3A_490 : memref<256x128xf32, #tpu.memory_space<hbm>>) target_semaphore(%dma_start3A_488 : memref<!tpu.dma_semaphore, #tpu.memory_space<semaphore_mem>>)
    %dma_wait3A_495 = arith.constant 0 : i32
    %dma_wait3A_496 = arith.constant 0 : i32
    %dma_wait3A_497 = arith.constant 0 : i32
    %dma_wait3A_498 = arith.constant 0 : i32
    %dma_wait3A_499 = tpu.memref_slice %arg13[%dma_wait3A_495, %dma_wait3A_497, %dma_wait3A_498] : memref<3x256x128xf32, #tpu.memory_space<vmem>> -> memref<1x256x128xf32, #tpu.memory_space<vmem>>
    %dma_wait3A_500 = tpu.memref_squeeze %dma_wait3A_499 : memref<1x256x128xf32, #tpu.memory_space<vmem>> -> memref<256x128xf32, #tpu.memory_space<vmem>>
    %dma_wait3A_501 = arith.constant 0 : i32
    %dma_wait3A_502 = tpu.memref_slice %arg9[%add3A_478, %dma_wait3A_501] : memref<16384x128xf32, #tpu.memory_space<hbm>> -> memref<256x128xf32, #tpu.memory_space<hbm>>
    %dma_wait3A_503 = tpu.memref_slice %arg17[%dma_wait3A_496] : memref<3x!tpu.dma_semaphore, #tpu.memory_space<semaphore_mem>> -> memref<1x!tpu.dma_semaphore, #tpu.memory_space<semaphore_mem>>
    %dma_wait3A_504 = tpu.memref_squeeze %dma_wait3A_503 : memref<1x!tpu.dma_semaphore, #tpu.memory_space<semaphore_mem>> -> memref<!tpu.dma_semaphore, #tpu.memory_space<semaphore_mem>>
    %dma_wait3A_505 = arith.constant 0 : i32
    %dma_wait3A_506 = tpu.memref_slice %arg9[%add3A_478, %dma_wait3A_505] : memref<16384x128xf32, #tpu.memory_space<hbm>> -> memref<256x128xf32, #tpu.memory_space<hbm>>
    %dma_wait3A_507 = arith.constant 0 : i32
    %dma_wait3A_508 = arith.constant 0 : i32
    %dma_wait3A_509 = tpu.memref_slice %arg13[%dma_wait3A_495, %dma_wait3A_507, %dma_wait3A_508] : memref<3x256x128xf32, #tpu.memory_space<vmem>> -> memref<1x256x128xf32, #tpu.memory_space<vmem>>
    %dma_wait3A_510 = tpu.memref_squeeze %dma_wait3A_509 : memref<1x256x128xf32, #tpu.memory_space<vmem>> -> memref<256x128xf32, #tpu.memory_space<vmem>>
    tpu.wait_dma2 semaphore(%dma_wait3A_504 : memref<!tpu.dma_semaphore, #tpu.memory_space<semaphore_mem>>) src(%dma_wait3A_510 : memref<256x128xf32, #tpu.memory_space<vmem>>) dst(%dma_wait3A_506 : memref<256x128xf32, #tpu.memory_space<hbm>>)
    %dma_start3A_511 = arith.constant 3 : i32
    %dma_start3A_512 = arith.constant 0 : i32
    %dma_start3A_513 = arith.constant 0 : i32
    %dma_start3A_514 = arith.constant 0 : i32
    %dma_start3A_515 = arith.constant 0 : i32
    %dma_start3A_516 = tpu.memref_slice %arg13[%dma_start3A_512, %dma_start3A_514, %dma_start3A_515] : memref<3x256x128xf32, #tpu.memory_space<vmem>> -> memref<1x128x128xf32, #tpu.memory_space<vmem>>
    %dma_start3A_517 = tpu.memref_squeeze %dma_start3A_516 : memref<1x128x128xf32, #tpu.memory_space<vmem>> -> memref<128x128xf32, #tpu.memory_space<vmem>>
    %dma_start3A_518 = arith.constant 256 : i32
    %dma_start3A_519 = tpu.memref_slice %arg12[%dma_start3A_511, %dma_start3A_518] : memref<4x512xi32, #tpu.memory_space<vmem>> -> memref<1x128xi32, #tpu.memory_space<vmem>>
    %dma_start3A_520 = tpu.memref_squeeze %dma_start3A_519 : memref<1x128xi32, #tpu.memory_space<vmem>> -> memref<128xi32, #tpu.memory_space<vmem>>
    %dma_start3A_521 = arith.constant 0 : i32
    %dma_start3A_522 = arith.constant 0 : i32
    %dma_start3A_523 = tpu.memref_slice %arg6[%dma_start3A_521, %dma_start3A_522] : memref<100000x128xf32, #tpu.memory_space<hbm>> -> memref<100000x128xf32, #tpu.memory_space<hbm>>
    %dma_start3A_524 = tpu.memref_slice %arg16[%dma_start3A_513] : memref<3x!tpu.dma_semaphore, #tpu.memory_space<semaphore_mem>> -> memref<1x!tpu.dma_semaphore, #tpu.memory_space<semaphore_mem>>
    %dma_start3A_525 = tpu.memref_squeeze %dma_start3A_524 : memref<1x!tpu.dma_semaphore, #tpu.memory_space<semaphore_mem>> -> memref<!tpu.dma_semaphore, #tpu.memory_space<semaphore_mem>>
    tpu.enqueue_indirect_dma source(%dma_start3A_523 : memref<100000x128xf32, #tpu.memory_space<hbm>>) target(%dma_start3A_517 : memref<128x128xf32, #tpu.memory_space<vmem>>) offsets(%dma_start3A_520 : memref<128xi32, #tpu.memory_space<vmem>>) semaphore(%dma_start3A_525 : memref<!tpu.dma_semaphore, #tpu.memory_space<semaphore_mem>>)
    %dma_start3A_526 = arith.constant 3 : i32
    %dma_start3A_527 = arith.constant 0 : i32
    %dma_start3A_528 = arith.constant 0 : i32
    %dma_start3A_529 = arith.constant 128 : i32
    %dma_start3A_530 = arith.constant 0 : i32
    %dma_start3A_531 = tpu.memref_slice %arg13[%dma_start3A_527, %dma_start3A_529, %dma_start3A_530] : memref<3x256x128xf32, #tpu.memory_space<vmem>> -> memref<1x128x128xf32, #tpu.memory_space<vmem>>
    %dma_start3A_532 = tpu.memref_squeeze %dma_start3A_531 : memref<1x128x128xf32, #tpu.memory_space<vmem>> -> memref<128x128xf32, #tpu.memory_space<vmem>>
    %dma_start3A_533 = arith.constant 384 : i32
    %dma_start3A_534 = tpu.memref_slice %arg12[%dma_start3A_526, %dma_start3A_533] : memref<4x512xi32, #tpu.memory_space<vmem>> -> memref<1x128xi32, #tpu.memory_space<vmem>>
    %dma_start3A_535 = tpu.memref_squeeze %dma_start3A_534 : memref<1x128xi32, #tpu.memory_space<vmem>> -> memref<128xi32, #tpu.memory_space<vmem>>
    %dma_start3A_536 = arith.constant 0 : i32
    %dma_start3A_537 = arith.constant 0 : i32
    %dma_start3A_538 = tpu.memref_slice %arg6[%dma_start3A_536, %dma_start3A_537] : memref<100000x128xf32, #tpu.memory_space<hbm>> -> memref<100000x128xf32, #tpu.memory_space<hbm>>
    %dma_start3A_539 = tpu.memref_slice %arg16[%dma_start3A_528] : memref<3x!tpu.dma_semaphore, #tpu.memory_space<semaphore_mem>> -> memref<1x!tpu.dma_semaphore, #tpu.memory_space<semaphore_mem>>
    %dma_start3A_540 = tpu.memref_squeeze %dma_start3A_539 : memref<1x!tpu.dma_semaphore, #tpu.memory_space<semaphore_mem>> -> memref<!tpu.dma_semaphore, #tpu.memory_space<semaphore_mem>>
    tpu.enqueue_indirect_dma source(%dma_start3A_538 : memref<100000x128xf32, #tpu.memory_space<hbm>>) target(%dma_start3A_532 : memref<128x128xf32, #tpu.memory_space<vmem>>) offsets(%dma_start3A_535 : memref<128xi32, #tpu.memory_space<vmem>>) semaphore(%dma_start3A_540 : memref<!tpu.dma_semaphore, #tpu.memory_space<semaphore_mem>>)
    %dma_wait3A_541 = arith.constant 0 : i32
    %dma_wait3A_542 = arith.constant 1 : i32
    %dma_wait3A_543 = arith.constant 1 : i32
    %dma_wait3A_544 = arith.constant 0 : i32
    %dma_wait3A_545 = arith.constant 0 : i32
    %dma_wait3A_546 = tpu.memref_slice %arg13[%dma_wait3A_542, %dma_wait3A_544, %dma_wait3A_545] : memref<3x256x128xf32, #tpu.memory_space<vmem>> -> memref<1x128x128xf32, #tpu.memory_space<vmem>>
    %dma_wait3A_547 = tpu.memref_squeeze %dma_wait3A_546 : memref<1x128x128xf32, #tpu.memory_space<vmem>> -> memref<128x128xf32, #tpu.memory_space<vmem>>
    %dma_wait3A_548 = arith.constant 256 : i32
    %dma_wait3A_549 = tpu.memref_slice %arg12[%dma_wait3A_541, %dma_wait3A_548] : memref<4x512xi32, #tpu.memory_space<vmem>> -> memref<1x128xi32, #tpu.memory_space<vmem>>
    %dma_wait3A_550 = tpu.memref_squeeze %dma_wait3A_549 : memref<1x128xi32, #tpu.memory_space<vmem>> -> memref<128xi32, #tpu.memory_space<vmem>>
    %dma_wait3A_551 = arith.constant 0 : i32
    %dma_wait3A_552 = arith.constant 0 : i32
    %dma_wait3A_553 = tpu.memref_slice %arg6[%dma_wait3A_551, %dma_wait3A_552] : memref<100000x128xf32, #tpu.memory_space<hbm>> -> memref<100000x128xf32, #tpu.memory_space<hbm>>
    %dma_wait3A_554 = tpu.memref_slice %arg16[%dma_wait3A_543] : memref<3x!tpu.dma_semaphore, #tpu.memory_space<semaphore_mem>> -> memref<1x!tpu.dma_semaphore, #tpu.memory_space<semaphore_mem>>
    %dma_wait3A_555 = tpu.memref_squeeze %dma_wait3A_554 : memref<1x!tpu.dma_semaphore, #tpu.memory_space<semaphore_mem>> -> memref<!tpu.dma_semaphore, #tpu.memory_space<semaphore_mem>>
    tpu.wait_indirect_dma semaphore(%dma_wait3A_555 : memref<!tpu.dma_semaphore, #tpu.memory_space<semaphore_mem>>) src(%dma_wait3A_553 : memref<100000x128xf32, #tpu.memory_space<hbm>>) dst(%dma_wait3A_547 : memref<128x128xf32, #tpu.memory_space<vmem>>)
    %dma_wait3A_556 = arith.constant 0 : i32
    %dma_wait3A_557 = arith.constant 1 : i32
    %dma_wait3A_558 = arith.constant 1 : i32
    %dma_wait3A_559 = arith.constant 128 : i32
    %dma_wait3A_560 = arith.constant 0 : i32
    %dma_wait3A_561 = tpu.memref_slice %arg13[%dma_wait3A_557, %dma_wait3A_559, %dma_wait3A_560] : memref<3x256x128xf32, #tpu.memory_space<vmem>> -> memref<1x128x128xf32, #tpu.memory_space<vmem>>
    %dma_wait3A_562 = tpu.memref_squeeze %dma_wait3A_561 : memref<1x128x128xf32, #tpu.memory_space<vmem>> -> memref<128x128xf32, #tpu.memory_space<vmem>>
    %dma_wait3A_563 = arith.constant 384 : i32
    %dma_wait3A_564 = tpu.memref_slice %arg12[%dma_wait3A_556, %dma_wait3A_563] : memref<4x512xi32, #tpu.memory_space<vmem>> -> memref<1x128xi32, #tpu.memory_space<vmem>>
    %dma_wait3A_565 = tpu.memref_squeeze %dma_wait3A_564 : memref<1x128xi32, #tpu.memory_space<vmem>> -> memref<128xi32, #tpu.memory_space<vmem>>
    %dma_wait3A_566 = arith.constant 0 : i32
    %dma_wait3A_567 = arith.constant 0 : i32
    %dma_wait3A_568 = tpu.memref_slice %arg6[%dma_wait3A_566, %dma_wait3A_567] : memref<100000x128xf32, #tpu.memory_space<hbm>> -> memref<100000x128xf32, #tpu.memory_space<hbm>>
    %dma_wait3A_569 = tpu.memref_slice %arg16[%dma_wait3A_558] : memref<3x!tpu.dma_semaphore, #tpu.memory_space<semaphore_mem>> -> memref<1x!tpu.dma_semaphore, #tpu.memory_space<semaphore_mem>>
    %dma_wait3A_570 = tpu.memref_squeeze %dma_wait3A_569 : memref<1x!tpu.dma_semaphore, #tpu.memory_space<semaphore_mem>> -> memref<!tpu.dma_semaphore, #tpu.memory_space<semaphore_mem>>
    tpu.wait_indirect_dma semaphore(%dma_wait3A_570 : memref<!tpu.dma_semaphore, #tpu.memory_space<semaphore_mem>>) src(%dma_wait3A_568 : memref<100000x128xf32, #tpu.memory_space<hbm>>) dst(%dma_wait3A_562 : memref<128x128xf32, #tpu.memory_space<vmem>>)
    %add3A_571 = arith.constant 256 : i32
    %add3A_572 = arith.addi %mul3A_2, %add3A_571 : i32
    %dma_start3A_573 = arith.constant 1 : i32
    %dma_start3A_574 = arith.constant 1 : i32
    %dma_start3A_575 = arith.constant 0 : i32
    %dma_start3A_576 = arith.constant 0 : i32
    %dma_start3A_577 = tpu.memref_slice %arg13[%dma_start3A_573, %dma_start3A_575, %dma_start3A_576] : memref<3x256x128xf32, #tpu.memory_space<vmem>> -> memref<1x256x128xf32, #tpu.memory_space<vmem>>
    %dma_start3A_578 = tpu.memref_squeeze %dma_start3A_577 : memref<1x256x128xf32, #tpu.memory_space<vmem>> -> memref<256x128xf32, #tpu.memory_space<vmem>>
    %dma_start3A_579 = arith.constant 0 : i32
    %dma_start3A_580 = tpu.memref_slice %arg8[%add3A_572, %dma_start3A_579] : memref<16384x128xf32, #tpu.memory_space<hbm>> -> memref<256x128xf32, #tpu.memory_space<hbm>>
    %dma_start3A_581 = tpu.memref_slice %arg17[%dma_start3A_574] : memref<3x!tpu.dma_semaphore, #tpu.memory_space<semaphore_mem>> -> memref<1x!tpu.dma_semaphore, #tpu.memory_space<semaphore_mem>>
    %dma_start3A_582 = tpu.memref_squeeze %dma_start3A_581 : memref<1x!tpu.dma_semaphore, #tpu.memory_space<semaphore_mem>> -> memref<!tpu.dma_semaphore, #tpu.memory_space<semaphore_mem>>
    %dma_start3A_583 = arith.constant 0 : i32
    %dma_start3A_584 = tpu.memref_slice %arg8[%add3A_572, %dma_start3A_583] : memref<16384x128xf32, #tpu.memory_space<hbm>> -> memref<256x128xf32, #tpu.memory_space<hbm>>
    %dma_start3A_585 = arith.constant 0 : i32
    %dma_start3A_586 = arith.constant 0 : i32
    %dma_start3A_587 = tpu.memref_slice %arg13[%dma_start3A_573, %dma_start3A_585, %dma_start3A_586] : memref<3x256x128xf32, #tpu.memory_space<vmem>> -> memref<1x256x128xf32, #tpu.memory_space<vmem>>
    %dma_start3A_588 = tpu.memref_squeeze %dma_start3A_587 : memref<1x256x128xf32, #tpu.memory_space<vmem>> -> memref<256x128xf32, #tpu.memory_space<vmem>>
    tpu.enqueue_dma source(%dma_start3A_588 : memref<256x128xf32, #tpu.memory_space<vmem>>) target(%dma_start3A_584 : memref<256x128xf32, #tpu.memory_space<hbm>>) target_semaphore(%dma_start3A_582 : memref<!tpu.dma_semaphore, #tpu.memory_space<semaphore_mem>>)
    %dma_wait3A_589 = arith.constant 1 : i32
    %dma_wait3A_590 = arith.constant 1 : i32
    %dma_wait3A_591 = arith.constant 0 : i32
    %dma_wait3A_592 = arith.constant 0 : i32
    %dma_wait3A_593 = tpu.memref_slice %arg13[%dma_wait3A_589, %dma_wait3A_591, %dma_wait3A_592] : memref<3x256x128xf32, #tpu.memory_space<vmem>> -> memref<1x256x128xf32, #tpu.memory_space<vmem>>
    %dma_wait3A_594 = tpu.memref_squeeze %dma_wait3A_593 : memref<1x256x128xf32, #tpu.memory_space<vmem>> -> memref<256x128xf32, #tpu.memory_space<vmem>>
    %dma_wait3A_595 = arith.constant 0 : i32
    %dma_wait3A_596 = tpu.memref_slice %arg8[%add3A_572, %dma_wait3A_595] : memref<16384x128xf32, #tpu.memory_space<hbm>> -> memref<256x128xf32, #tpu.memory_space<hbm>>
    %dma_wait3A_597 = tpu.memref_slice %arg17[%dma_wait3A_590] : memref<3x!tpu.dma_semaphore, #tpu.memory_space<semaphore_mem>> -> memref<1x!tpu.dma_semaphore, #tpu.memory_space<semaphore_mem>>
    %dma_wait3A_598 = tpu.memref_squeeze %dma_wait3A_597 : memref<1x!tpu.dma_semaphore, #tpu.memory_space<semaphore_mem>> -> memref<!tpu.dma_semaphore, #tpu.memory_space<semaphore_mem>>
    %dma_wait3A_599 = arith.constant 0 : i32
    %dma_wait3A_600 = tpu.memref_slice %arg8[%add3A_572, %dma_wait3A_599] : memref<16384x128xf32, #tpu.memory_space<hbm>> -> memref<256x128xf32, #tpu.memory_space<hbm>>
    %dma_wait3A_601 = arith.constant 0 : i32
    %dma_wait3A_602 = arith.constant 0 : i32
    %dma_wait3A_603 = tpu.memref_slice %arg13[%dma_wait3A_589, %dma_wait3A_601, %dma_wait3A_602] : memref<3x256x128xf32, #tpu.memory_space<vmem>> -> memref<1x256x128xf32, #tpu.memory_space<vmem>>
    %dma_wait3A_604 = tpu.memref_squeeze %dma_wait3A_603 : memref<1x256x128xf32, #tpu.memory_space<vmem>> -> memref<256x128xf32, #tpu.memory_space<vmem>>
    tpu.wait_dma2 semaphore(%dma_wait3A_598 : memref<!tpu.dma_semaphore, #tpu.memory_space<semaphore_mem>>) src(%dma_wait3A_604 : memref<256x128xf32, #tpu.memory_space<vmem>>) dst(%dma_wait3A_600 : memref<256x128xf32, #tpu.memory_space<hbm>>)
    %dma_start3A_605 = arith.constant 1 : i32
    %dma_start3A_606 = arith.constant 1 : i32
    %dma_start3A_607 = arith.constant 1 : i32
    %dma_start3A_608 = arith.constant 0 : i32
    %dma_start3A_609 = arith.constant 0 : i32
    %dma_start3A_610 = tpu.memref_slice %arg13[%dma_start3A_606, %dma_start3A_608, %dma_start3A_609] : memref<3x256x128xf32, #tpu.memory_space<vmem>> -> memref<1x128x128xf32, #tpu.memory_space<vmem>>
    %dma_start3A_611 = tpu.memref_squeeze %dma_start3A_610 : memref<1x128x128xf32, #tpu.memory_space<vmem>> -> memref<128x128xf32, #tpu.memory_space<vmem>>
    %dma_start3A_612 = arith.constant 256 : i32
    %dma_start3A_613 = tpu.memref_slice %arg12[%dma_start3A_605, %dma_start3A_612] : memref<4x512xi32, #tpu.memory_space<vmem>> -> memref<1x128xi32, #tpu.memory_space<vmem>>
    %dma_start3A_614 = tpu.memref_squeeze %dma_start3A_613 : memref<1x128xi32, #tpu.memory_space<vmem>> -> memref<128xi32, #tpu.memory_space<vmem>>
    %dma_start3A_615 = arith.constant 0 : i32
    %dma_start3A_616 = arith.constant 0 : i32
    %dma_start3A_617 = tpu.memref_slice %arg14[%dma_start3A_615, %dma_start3A_616] : memref<1000x128xf32, #tpu.memory_space<vmem_shared>> -> memref<1000x128xf32, #tpu.memory_space<vmem_shared>>
    %dma_start3A_618 = tpu.memref_slice %arg16[%dma_start3A_607] : memref<3x!tpu.dma_semaphore, #tpu.memory_space<semaphore_mem>> -> memref<1x!tpu.dma_semaphore, #tpu.memory_space<semaphore_mem>>
    %dma_start3A_619 = tpu.memref_squeeze %dma_start3A_618 : memref<1x!tpu.dma_semaphore, #tpu.memory_space<semaphore_mem>> -> memref<!tpu.dma_semaphore, #tpu.memory_space<semaphore_mem>>
    tpu.enqueue_indirect_dma source(%dma_start3A_617 : memref<1000x128xf32, #tpu.memory_space<vmem_shared>>) target(%dma_start3A_611 : memref<128x128xf32, #tpu.memory_space<vmem>>) offsets(%dma_start3A_614 : memref<128xi32, #tpu.memory_space<vmem>>) semaphore(%dma_start3A_619 : memref<!tpu.dma_semaphore, #tpu.memory_space<semaphore_mem>>)
    %dma_start3A_620 = arith.constant 1 : i32
    %dma_start3A_621 = arith.constant 1 : i32
    %dma_start3A_622 = arith.constant 1 : i32
    %dma_start3A_623 = arith.constant 128 : i32
    %dma_start3A_624 = arith.constant 0 : i32
    %dma_start3A_625 = tpu.memref_slice %arg13[%dma_start3A_621, %dma_start3A_623, %dma_start3A_624] : memref<3x256x128xf32, #tpu.memory_space<vmem>> -> memref<1x128x128xf32, #tpu.memory_space<vmem>>
    %dma_start3A_626 = tpu.memref_squeeze %dma_start3A_625 : memref<1x128x128xf32, #tpu.memory_space<vmem>> -> memref<128x128xf32, #tpu.memory_space<vmem>>
    %dma_start3A_627 = arith.constant 384 : i32
    %dma_start3A_628 = tpu.memref_slice %arg12[%dma_start3A_620, %dma_start3A_627] : memref<4x512xi32, #tpu.memory_space<vmem>> -> memref<1x128xi32, #tpu.memory_space<vmem>>
    %dma_start3A_629 = tpu.memref_squeeze %dma_start3A_628 : memref<1x128xi32, #tpu.memory_space<vmem>> -> memref<128xi32, #tpu.memory_space<vmem>>
    %dma_start3A_630 = arith.constant 0 : i32
    %dma_start3A_631 = arith.constant 0 : i32
    %dma_start3A_632 = tpu.memref_slice %arg14[%dma_start3A_630, %dma_start3A_631] : memref<1000x128xf32, #tpu.memory_space<vmem_shared>> -> memref<1000x128xf32, #tpu.memory_space<vmem_shared>>
    %dma_start3A_633 = tpu.memref_slice %arg16[%dma_start3A_622] : memref<3x!tpu.dma_semaphore, #tpu.memory_space<semaphore_mem>> -> memref<1x!tpu.dma_semaphore, #tpu.memory_space<semaphore_mem>>
    %dma_start3A_634 = tpu.memref_squeeze %dma_start3A_633 : memref<1x!tpu.dma_semaphore, #tpu.memory_space<semaphore_mem>> -> memref<!tpu.dma_semaphore, #tpu.memory_space<semaphore_mem>>
    tpu.enqueue_indirect_dma source(%dma_start3A_632 : memref<1000x128xf32, #tpu.memory_space<vmem_shared>>) target(%dma_start3A_626 : memref<128x128xf32, #tpu.memory_space<vmem>>) offsets(%dma_start3A_629 : memref<128xi32, #tpu.memory_space<vmem>>) semaphore(%dma_start3A_634 : memref<!tpu.dma_semaphore, #tpu.memory_space<semaphore_mem>>)
    %dma_wait3A_635 = arith.constant 2 : i32
    %dma_wait3A_636 = arith.constant 2 : i32
    %dma_wait3A_637 = arith.constant 2 : i32
    %dma_wait3A_638 = arith.constant 0 : i32
    %dma_wait3A_639 = arith.constant 0 : i32
    %dma_wait3A_640 = tpu.memref_slice %arg13[%dma_wait3A_636, %dma_wait3A_638, %dma_wait3A_639] : memref<3x256x128xf32, #tpu.memory_space<vmem>> -> memref<1x128x128xf32, #tpu.memory_space<vmem>>
    %dma_wait3A_641 = tpu.memref_squeeze %dma_wait3A_640 : memref<1x128x128xf32, #tpu.memory_space<vmem>> -> memref<128x128xf32, #tpu.memory_space<vmem>>
    %dma_wait3A_642 = arith.constant 256 : i32
    %dma_wait3A_643 = tpu.memref_slice %arg12[%dma_wait3A_635, %dma_wait3A_642] : memref<4x512xi32, #tpu.memory_space<vmem>> -> memref<1x128xi32, #tpu.memory_space<vmem>>
    %dma_wait3A_644 = tpu.memref_squeeze %dma_wait3A_643 : memref<1x128xi32, #tpu.memory_space<vmem>> -> memref<128xi32, #tpu.memory_space<vmem>>
    %dma_wait3A_645 = arith.constant 0 : i32
    %dma_wait3A_646 = arith.constant 0 : i32
    %dma_wait3A_647 = tpu.memref_slice %arg6[%dma_wait3A_645, %dma_wait3A_646] : memref<100000x128xf32, #tpu.memory_space<hbm>> -> memref<100000x128xf32, #tpu.memory_space<hbm>>
    %dma_wait3A_648 = tpu.memref_slice %arg16[%dma_wait3A_637] : memref<3x!tpu.dma_semaphore, #tpu.memory_space<semaphore_mem>> -> memref<1x!tpu.dma_semaphore, #tpu.memory_space<semaphore_mem>>
    %dma_wait3A_649 = tpu.memref_squeeze %dma_wait3A_648 : memref<1x!tpu.dma_semaphore, #tpu.memory_space<semaphore_mem>> -> memref<!tpu.dma_semaphore, #tpu.memory_space<semaphore_mem>>
    tpu.wait_indirect_dma semaphore(%dma_wait3A_649 : memref<!tpu.dma_semaphore, #tpu.memory_space<semaphore_mem>>) src(%dma_wait3A_647 : memref<100000x128xf32, #tpu.memory_space<hbm>>) dst(%dma_wait3A_641 : memref<128x128xf32, #tpu.memory_space<vmem>>)
    %dma_wait3A_650 = arith.constant 2 : i32
    %dma_wait3A_651 = arith.constant 2 : i32
    %dma_wait3A_652 = arith.constant 2 : i32
    %dma_wait3A_653 = arith.constant 128 : i32
    %dma_wait3A_654 = arith.constant 0 : i32
    %dma_wait3A_655 = tpu.memref_slice %arg13[%dma_wait3A_651, %dma_wait3A_653, %dma_wait3A_654] : memref<3x256x128xf32, #tpu.memory_space<vmem>> -> memref<1x128x128xf32, #tpu.memory_space<vmem>>
    %dma_wait3A_656 = tpu.memref_squeeze %dma_wait3A_655 : memref<1x128x128xf32, #tpu.memory_space<vmem>> -> memref<128x128xf32, #tpu.memory_space<vmem>>
    %dma_wait3A_657 = arith.constant 384 : i32
    %dma_wait3A_658 = tpu.memref_slice %arg12[%dma_wait3A_650, %dma_wait3A_657] : memref<4x512xi32, #tpu.memory_space<vmem>> -> memref<1x128xi32, #tpu.memory_space<vmem>>
    %dma_wait3A_659 = tpu.memref_squeeze %dma_wait3A_658 : memref<1x128xi32, #tpu.memory_space<vmem>> -> memref<128xi32, #tpu.memory_space<vmem>>
    %dma_wait3A_660 = arith.constant 0 : i32
    %dma_wait3A_661 = arith.constant 0 : i32
    %dma_wait3A_662 = tpu.memref_slice %arg6[%dma_wait3A_660, %dma_wait3A_661] : memref<100000x128xf32, #tpu.memory_space<hbm>> -> memref<100000x128xf32, #tpu.memory_space<hbm>>
    %dma_wait3A_663 = tpu.memref_slice %arg16[%dma_wait3A_652] : memref<3x!tpu.dma_semaphore, #tpu.memory_space<semaphore_mem>> -> memref<1x!tpu.dma_semaphore, #tpu.memory_space<semaphore_mem>>
    %dma_wait3A_664 = tpu.memref_squeeze %dma_wait3A_663 : memref<1x!tpu.dma_semaphore, #tpu.memory_space<semaphore_mem>> -> memref<!tpu.dma_semaphore, #tpu.memory_space<semaphore_mem>>
    tpu.wait_indirect_dma semaphore(%dma_wait3A_664 : memref<!tpu.dma_semaphore, #tpu.memory_space<semaphore_mem>>) src(%dma_wait3A_662 : memref<100000x128xf32, #tpu.memory_space<hbm>>) dst(%dma_wait3A_656 : memref<128x128xf32, #tpu.memory_space<vmem>>)
    %add3A_665 = arith.constant 256 : i32
    %add3A_666 = arith.addi %mul3A_2, %add3A_665 : i32
    %dma_start3A_667 = arith.constant 2 : i32
    %dma_start3A_668 = arith.constant 2 : i32
    %dma_start3A_669 = arith.constant 0 : i32
    %dma_start3A_670 = arith.constant 0 : i32
    %dma_start3A_671 = tpu.memref_slice %arg13[%dma_start3A_667, %dma_start3A_669, %dma_start3A_670] : memref<3x256x128xf32, #tpu.memory_space<vmem>> -> memref<1x256x128xf32, #tpu.memory_space<vmem>>
    %dma_start3A_672 = tpu.memref_squeeze %dma_start3A_671 : memref<1x256x128xf32, #tpu.memory_space<vmem>> -> memref<256x128xf32, #tpu.memory_space<vmem>>
    %dma_start3A_673 = arith.constant 0 : i32
    %dma_start3A_674 = tpu.memref_slice %arg10[%add3A_666, %dma_start3A_673] : memref<16384x128xf32, #tpu.memory_space<hbm>> -> memref<256x128xf32, #tpu.memory_space<hbm>>
    %dma_start3A_675 = tpu.memref_slice %arg17[%dma_start3A_668] : memref<3x!tpu.dma_semaphore, #tpu.memory_space<semaphore_mem>> -> memref<1x!tpu.dma_semaphore, #tpu.memory_space<semaphore_mem>>
    %dma_start3A_676 = tpu.memref_squeeze %dma_start3A_675 : memref<1x!tpu.dma_semaphore, #tpu.memory_space<semaphore_mem>> -> memref<!tpu.dma_semaphore, #tpu.memory_space<semaphore_mem>>
    %dma_start3A_677 = arith.constant 0 : i32
    %dma_start3A_678 = tpu.memref_slice %arg10[%add3A_666, %dma_start3A_677] : memref<16384x128xf32, #tpu.memory_space<hbm>> -> memref<256x128xf32, #tpu.memory_space<hbm>>
    %dma_start3A_679 = arith.constant 0 : i32
    %dma_start3A_680 = arith.constant 0 : i32
    %dma_start3A_681 = tpu.memref_slice %arg13[%dma_start3A_667, %dma_start3A_679, %dma_start3A_680] : memref<3x256x128xf32, #tpu.memory_space<vmem>> -> memref<1x256x128xf32, #tpu.memory_space<vmem>>
    %dma_start3A_682 = tpu.memref_squeeze %dma_start3A_681 : memref<1x256x128xf32, #tpu.memory_space<vmem>> -> memref<256x128xf32, #tpu.memory_space<vmem>>
    tpu.enqueue_dma source(%dma_start3A_682 : memref<256x128xf32, #tpu.memory_space<vmem>>) target(%dma_start3A_678 : memref<256x128xf32, #tpu.memory_space<hbm>>) target_semaphore(%dma_start3A_676 : memref<!tpu.dma_semaphore, #tpu.memory_space<semaphore_mem>>)
    %dma_wait3A_683 = arith.constant 3 : i32
    %dma_wait3A_684 = arith.constant 0 : i32
    %dma_wait3A_685 = arith.constant 0 : i32
    %dma_wait3A_686 = arith.constant 0 : i32
    %dma_wait3A_687 = arith.constant 0 : i32
    %dma_wait3A_688 = tpu.memref_slice %arg13[%dma_wait3A_684, %dma_wait3A_686, %dma_wait3A_687] : memref<3x256x128xf32, #tpu.memory_space<vmem>> -> memref<1x128x128xf32, #tpu.memory_space<vmem>>
    %dma_wait3A_689 = tpu.memref_squeeze %dma_wait3A_688 : memref<1x128x128xf32, #tpu.memory_space<vmem>> -> memref<128x128xf32, #tpu.memory_space<vmem>>
    %dma_wait3A_690 = arith.constant 256 : i32
    %dma_wait3A_691 = tpu.memref_slice %arg12[%dma_wait3A_683, %dma_wait3A_690] : memref<4x512xi32, #tpu.memory_space<vmem>> -> memref<1x128xi32, #tpu.memory_space<vmem>>
    %dma_wait3A_692 = tpu.memref_squeeze %dma_wait3A_691 : memref<1x128xi32, #tpu.memory_space<vmem>> -> memref<128xi32, #tpu.memory_space<vmem>>
    %dma_wait3A_693 = arith.constant 0 : i32
    %dma_wait3A_694 = arith.constant 0 : i32
    %dma_wait3A_695 = tpu.memref_slice %arg6[%dma_wait3A_693, %dma_wait3A_694] : memref<100000x128xf32, #tpu.memory_space<hbm>> -> memref<100000x128xf32, #tpu.memory_space<hbm>>
    %dma_wait3A_696 = tpu.memref_slice %arg16[%dma_wait3A_685] : memref<3x!tpu.dma_semaphore, #tpu.memory_space<semaphore_mem>> -> memref<1x!tpu.dma_semaphore, #tpu.memory_space<semaphore_mem>>
    %dma_wait3A_697 = tpu.memref_squeeze %dma_wait3A_696 : memref<1x!tpu.dma_semaphore, #tpu.memory_space<semaphore_mem>> -> memref<!tpu.dma_semaphore, #tpu.memory_space<semaphore_mem>>
    tpu.wait_indirect_dma semaphore(%dma_wait3A_697 : memref<!tpu.dma_semaphore, #tpu.memory_space<semaphore_mem>>) src(%dma_wait3A_695 : memref<100000x128xf32, #tpu.memory_space<hbm>>) dst(%dma_wait3A_689 : memref<128x128xf32, #tpu.memory_space<vmem>>)
    %dma_wait3A_698 = arith.constant 3 : i32
    %dma_wait3A_699 = arith.constant 0 : i32
    %dma_wait3A_700 = arith.constant 0 : i32
    %dma_wait3A_701 = arith.constant 128 : i32
    %dma_wait3A_702 = arith.constant 0 : i32
    %dma_wait3A_703 = tpu.memref_slice %arg13[%dma_wait3A_699, %dma_wait3A_701, %dma_wait3A_702] : memref<3x256x128xf32, #tpu.memory_space<vmem>> -> memref<1x128x128xf32, #tpu.memory_space<vmem>>
    %dma_wait3A_704 = tpu.memref_squeeze %dma_wait3A_703 : memref<1x128x128xf32, #tpu.memory_space<vmem>> -> memref<128x128xf32, #tpu.memory_space<vmem>>
    %dma_wait3A_705 = arith.constant 384 : i32
    %dma_wait3A_706 = tpu.memref_slice %arg12[%dma_wait3A_698, %dma_wait3A_705] : memref<4x512xi32, #tpu.memory_space<vmem>> -> memref<1x128xi32, #tpu.memory_space<vmem>>
    %dma_wait3A_707 = tpu.memref_squeeze %dma_wait3A_706 : memref<1x128xi32, #tpu.memory_space<vmem>> -> memref<128xi32, #tpu.memory_space<vmem>>
    %dma_wait3A_708 = arith.constant 0 : i32
    %dma_wait3A_709 = arith.constant 0 : i32
    %dma_wait3A_710 = tpu.memref_slice %arg6[%dma_wait3A_708, %dma_wait3A_709] : memref<100000x128xf32, #tpu.memory_space<hbm>> -> memref<100000x128xf32, #tpu.memory_space<hbm>>
    %dma_wait3A_711 = tpu.memref_slice %arg16[%dma_wait3A_700] : memref<3x!tpu.dma_semaphore, #tpu.memory_space<semaphore_mem>> -> memref<1x!tpu.dma_semaphore, #tpu.memory_space<semaphore_mem>>
    %dma_wait3A_712 = tpu.memref_squeeze %dma_wait3A_711 : memref<1x!tpu.dma_semaphore, #tpu.memory_space<semaphore_mem>> -> memref<!tpu.dma_semaphore, #tpu.memory_space<semaphore_mem>>
    tpu.wait_indirect_dma semaphore(%dma_wait3A_712 : memref<!tpu.dma_semaphore, #tpu.memory_space<semaphore_mem>>) src(%dma_wait3A_710 : memref<100000x128xf32, #tpu.memory_space<hbm>>) dst(%dma_wait3A_704 : memref<128x128xf32, #tpu.memory_space<vmem>>)
    %add3A_713 = arith.constant 256 : i32
    %add3A_714 = arith.addi %mul3A_2, %add3A_713 : i32
    %dma_start3A_715 = arith.constant 0 : i32
    %dma_start3A_716 = arith.constant 0 : i32
    %dma_start3A_717 = arith.constant 0 : i32
    %dma_start3A_718 = arith.constant 0 : i32
    %dma_start3A_719 = tpu.memref_slice %arg13[%dma_start3A_715, %dma_start3A_717, %dma_start3A_718] : memref<3x256x128xf32, #tpu.memory_space<vmem>> -> memref<1x256x128xf32, #tpu.memory_space<vmem>>
    %dma_start3A_720 = tpu.memref_squeeze %dma_start3A_719 : memref<1x256x128xf32, #tpu.memory_space<vmem>> -> memref<256x128xf32, #tpu.memory_space<vmem>>
    %dma_start3A_721 = arith.constant 0 : i32
    %dma_start3A_722 = tpu.memref_slice %arg11[%add3A_714, %dma_start3A_721] : memref<16384x128xf32, #tpu.memory_space<hbm>> -> memref<256x128xf32, #tpu.memory_space<hbm>>
    %dma_start3A_723 = tpu.memref_slice %arg17[%dma_start3A_716] : memref<3x!tpu.dma_semaphore, #tpu.memory_space<semaphore_mem>> -> memref<1x!tpu.dma_semaphore, #tpu.memory_space<semaphore_mem>>
    %dma_start3A_724 = tpu.memref_squeeze %dma_start3A_723 : memref<1x!tpu.dma_semaphore, #tpu.memory_space<semaphore_mem>> -> memref<!tpu.dma_semaphore, #tpu.memory_space<semaphore_mem>>
    %dma_start3A_725 = arith.constant 0 : i32
    %dma_start3A_726 = tpu.memref_slice %arg11[%add3A_714, %dma_start3A_725] : memref<16384x128xf32, #tpu.memory_space<hbm>> -> memref<256x128xf32, #tpu.memory_space<hbm>>
    %dma_start3A_727 = arith.constant 0 : i32
    %dma_start3A_728 = arith.constant 0 : i32
    %dma_start3A_729 = tpu.memref_slice %arg13[%dma_start3A_715, %dma_start3A_727, %dma_start3A_728] : memref<3x256x128xf32, #tpu.memory_space<vmem>> -> memref<1x256x128xf32, #tpu.memory_space<vmem>>
    %dma_start3A_730 = tpu.memref_squeeze %dma_start3A_729 : memref<1x256x128xf32, #tpu.memory_space<vmem>> -> memref<256x128xf32, #tpu.memory_space<vmem>>
    tpu.enqueue_dma source(%dma_start3A_730 : memref<256x128xf32, #tpu.memory_space<vmem>>) target(%dma_start3A_726 : memref<256x128xf32, #tpu.memory_space<hbm>>) target_semaphore(%dma_start3A_724 : memref<!tpu.dma_semaphore, #tpu.memory_space<semaphore_mem>>)
    %dma_wait3A_731 = arith.constant 1 : i32
    %dma_wait3A_732 = arith.constant 1 : i32
    %dma_wait3A_733 = arith.constant 1 : i32
    %dma_wait3A_734 = arith.constant 0 : i32
    %dma_wait3A_735 = arith.constant 0 : i32
    %dma_wait3A_736 = tpu.memref_slice %arg13[%dma_wait3A_732, %dma_wait3A_734, %dma_wait3A_735] : memref<3x256x128xf32, #tpu.memory_space<vmem>> -> memref<1x128x128xf32, #tpu.memory_space<vmem>>
    %dma_wait3A_737 = tpu.memref_squeeze %dma_wait3A_736 : memref<1x128x128xf32, #tpu.memory_space<vmem>> -> memref<128x128xf32, #tpu.memory_space<vmem>>
    %dma_wait3A_738 = arith.constant 256 : i32
    %dma_wait3A_739 = tpu.memref_slice %arg12[%dma_wait3A_731, %dma_wait3A_738] : memref<4x512xi32, #tpu.memory_space<vmem>> -> memref<1x128xi32, #tpu.memory_space<vmem>>
    %dma_wait3A_740 = tpu.memref_squeeze %dma_wait3A_739 : memref<1x128xi32, #tpu.memory_space<vmem>> -> memref<128xi32, #tpu.memory_space<vmem>>
    %dma_wait3A_741 = arith.constant 0 : i32
    %dma_wait3A_742 = arith.constant 0 : i32
    %dma_wait3A_743 = tpu.memref_slice %arg14[%dma_wait3A_741, %dma_wait3A_742] : memref<1000x128xf32, #tpu.memory_space<vmem_shared>> -> memref<1000x128xf32, #tpu.memory_space<vmem_shared>>
    %dma_wait3A_744 = tpu.memref_slice %arg16[%dma_wait3A_733] : memref<3x!tpu.dma_semaphore, #tpu.memory_space<semaphore_mem>> -> memref<1x!tpu.dma_semaphore, #tpu.memory_space<semaphore_mem>>
    %dma_wait3A_745 = tpu.memref_squeeze %dma_wait3A_744 : memref<1x!tpu.dma_semaphore, #tpu.memory_space<semaphore_mem>> -> memref<!tpu.dma_semaphore, #tpu.memory_space<semaphore_mem>>
    tpu.wait_indirect_dma semaphore(%dma_wait3A_745 : memref<!tpu.dma_semaphore, #tpu.memory_space<semaphore_mem>>) src(%dma_wait3A_743 : memref<1000x128xf32, #tpu.memory_space<vmem_shared>>) dst(%dma_wait3A_737 : memref<128x128xf32, #tpu.memory_space<vmem>>)
    %dma_wait3A_746 = arith.constant 1 : i32
    %dma_wait3A_747 = arith.constant 1 : i32
    %dma_wait3A_748 = arith.constant 1 : i32
    %dma_wait3A_749 = arith.constant 128 : i32
    %dma_wait3A_750 = arith.constant 0 : i32
    %dma_wait3A_751 = tpu.memref_slice %arg13[%dma_wait3A_747, %dma_wait3A_749, %dma_wait3A_750] : memref<3x256x128xf32, #tpu.memory_space<vmem>> -> memref<1x128x128xf32, #tpu.memory_space<vmem>>
    %dma_wait3A_752 = tpu.memref_squeeze %dma_wait3A_751 : memref<1x128x128xf32, #tpu.memory_space<vmem>> -> memref<128x128xf32, #tpu.memory_space<vmem>>
    %dma_wait3A_753 = arith.constant 384 : i32
    %dma_wait3A_754 = tpu.memref_slice %arg12[%dma_wait3A_746, %dma_wait3A_753] : memref<4x512xi32, #tpu.memory_space<vmem>> -> memref<1x128xi32, #tpu.memory_space<vmem>>
    %dma_wait3A_755 = tpu.memref_squeeze %dma_wait3A_754 : memref<1x128xi32, #tpu.memory_space<vmem>> -> memref<128xi32, #tpu.memory_space<vmem>>
    %dma_wait3A_756 = arith.constant 0 : i32
    %dma_wait3A_757 = arith.constant 0 : i32
    %dma_wait3A_758 = tpu.memref_slice %arg14[%dma_wait3A_756, %dma_wait3A_757] : memref<1000x128xf32, #tpu.memory_space<vmem_shared>> -> memref<1000x128xf32, #tpu.memory_space<vmem_shared>>
    %dma_wait3A_759 = tpu.memref_slice %arg16[%dma_wait3A_748] : memref<3x!tpu.dma_semaphore, #tpu.memory_space<semaphore_mem>> -> memref<1x!tpu.dma_semaphore, #tpu.memory_space<semaphore_mem>>
    %dma_wait3A_760 = tpu.memref_squeeze %dma_wait3A_759 : memref<1x!tpu.dma_semaphore, #tpu.memory_space<semaphore_mem>> -> memref<!tpu.dma_semaphore, #tpu.memory_space<semaphore_mem>>
    tpu.wait_indirect_dma semaphore(%dma_wait3A_760 : memref<!tpu.dma_semaphore, #tpu.memory_space<semaphore_mem>>) src(%dma_wait3A_758 : memref<1000x128xf32, #tpu.memory_space<vmem_shared>>) dst(%dma_wait3A_752 : memref<128x128xf32, #tpu.memory_space<vmem>>)
    %add3A_761 = arith.constant 256 : i32
    %add3A_762 = arith.addi %mul3A_2, %add3A_761 : i32
    %dma_start3A_763 = arith.constant 1 : i32
    %dma_start3A_764 = arith.constant 1 : i32
    %dma_start3A_765 = arith.constant 0 : i32
    %dma_start3A_766 = arith.constant 0 : i32
    %dma_start3A_767 = tpu.memref_slice %arg13[%dma_start3A_763, %dma_start3A_765, %dma_start3A_766] : memref<3x256x128xf32, #tpu.memory_space<vmem>> -> memref<1x256x128xf32, #tpu.memory_space<vmem>>
    %dma_start3A_768 = tpu.memref_squeeze %dma_start3A_767 : memref<1x256x128xf32, #tpu.memory_space<vmem>> -> memref<256x128xf32, #tpu.memory_space<vmem>>
    %dma_start3A_769 = arith.constant 0 : i32
    %dma_start3A_770 = tpu.memref_slice %arg9[%add3A_762, %dma_start3A_769] : memref<16384x128xf32, #tpu.memory_space<hbm>> -> memref<256x128xf32, #tpu.memory_space<hbm>>
    %dma_start3A_771 = tpu.memref_slice %arg17[%dma_start3A_764] : memref<3x!tpu.dma_semaphore, #tpu.memory_space<semaphore_mem>> -> memref<1x!tpu.dma_semaphore, #tpu.memory_space<semaphore_mem>>
    %dma_start3A_772 = tpu.memref_squeeze %dma_start3A_771 : memref<1x!tpu.dma_semaphore, #tpu.memory_space<semaphore_mem>> -> memref<!tpu.dma_semaphore, #tpu.memory_space<semaphore_mem>>
    %dma_start3A_773 = arith.constant 0 : i32
    %dma_start3A_774 = tpu.memref_slice %arg9[%add3A_762, %dma_start3A_773] : memref<16384x128xf32, #tpu.memory_space<hbm>> -> memref<256x128xf32, #tpu.memory_space<hbm>>
    %dma_start3A_775 = arith.constant 0 : i32
    %dma_start3A_776 = arith.constant 0 : i32
    %dma_start3A_777 = tpu.memref_slice %arg13[%dma_start3A_763, %dma_start3A_775, %dma_start3A_776] : memref<3x256x128xf32, #tpu.memory_space<vmem>> -> memref<1x256x128xf32, #tpu.memory_space<vmem>>
    %dma_start3A_778 = tpu.memref_squeeze %dma_start3A_777 : memref<1x256x128xf32, #tpu.memory_space<vmem>> -> memref<256x128xf32, #tpu.memory_space<vmem>>
    tpu.enqueue_dma source(%dma_start3A_778 : memref<256x128xf32, #tpu.memory_space<vmem>>) target(%dma_start3A_774 : memref<256x128xf32, #tpu.memory_space<hbm>>) target_semaphore(%dma_start3A_772 : memref<!tpu.dma_semaphore, #tpu.memory_space<semaphore_mem>>)
    %dma_wait3A_779 = arith.constant 2 : i32
    %dma_wait3A_780 = arith.constant 2 : i32
    %dma_wait3A_781 = arith.constant 0 : i32
    %dma_wait3A_782 = arith.constant 0 : i32
    %dma_wait3A_783 = tpu.memref_slice %arg13[%dma_wait3A_779, %dma_wait3A_781, %dma_wait3A_782] : memref<3x256x128xf32, #tpu.memory_space<vmem>> -> memref<1x256x128xf32, #tpu.memory_space<vmem>>
    %dma_wait3A_784 = tpu.memref_squeeze %dma_wait3A_783 : memref<1x256x128xf32, #tpu.memory_space<vmem>> -> memref<256x128xf32, #tpu.memory_space<vmem>>
    %dma_wait3A_785 = arith.constant 0 : i32
    %dma_wait3A_786 = tpu.memref_slice %arg10[%add3A_666, %dma_wait3A_785] : memref<16384x128xf32, #tpu.memory_space<hbm>> -> memref<256x128xf32, #tpu.memory_space<hbm>>
    %dma_wait3A_787 = tpu.memref_slice %arg17[%dma_wait3A_780] : memref<3x!tpu.dma_semaphore, #tpu.memory_space<semaphore_mem>> -> memref<1x!tpu.dma_semaphore, #tpu.memory_space<semaphore_mem>>
    %dma_wait3A_788 = tpu.memref_squeeze %dma_wait3A_787 : memref<1x!tpu.dma_semaphore, #tpu.memory_space<semaphore_mem>> -> memref<!tpu.dma_semaphore, #tpu.memory_space<semaphore_mem>>
    %dma_wait3A_789 = arith.constant 0 : i32
    %dma_wait3A_790 = tpu.memref_slice %arg10[%add3A_666, %dma_wait3A_789] : memref<16384x128xf32, #tpu.memory_space<hbm>> -> memref<256x128xf32, #tpu.memory_space<hbm>>
    %dma_wait3A_791 = arith.constant 0 : i32
    %dma_wait3A_792 = arith.constant 0 : i32
    %dma_wait3A_793 = tpu.memref_slice %arg13[%dma_wait3A_779, %dma_wait3A_791, %dma_wait3A_792] : memref<3x256x128xf32, #tpu.memory_space<vmem>> -> memref<1x256x128xf32, #tpu.memory_space<vmem>>
    %dma_wait3A_794 = tpu.memref_squeeze %dma_wait3A_793 : memref<1x256x128xf32, #tpu.memory_space<vmem>> -> memref<256x128xf32, #tpu.memory_space<vmem>>
    tpu.wait_dma2 semaphore(%dma_wait3A_788 : memref<!tpu.dma_semaphore, #tpu.memory_space<semaphore_mem>>) src(%dma_wait3A_794 : memref<256x128xf32, #tpu.memory_space<vmem>>) dst(%dma_wait3A_790 : memref<256x128xf32, #tpu.memory_space<hbm>>)
    %dma_wait3A_795 = arith.constant 0 : i32
    %dma_wait3A_796 = arith.constant 0 : i32
    %dma_wait3A_797 = arith.constant 0 : i32
    %dma_wait3A_798 = arith.constant 0 : i32
    %dma_wait3A_799 = tpu.memref_slice %arg13[%dma_wait3A_795, %dma_wait3A_797, %dma_wait3A_798] : memref<3x256x128xf32, #tpu.memory_space<vmem>> -> memref<1x256x128xf32, #tpu.memory_space<vmem>>
    %dma_wait3A_800 = tpu.memref_squeeze %dma_wait3A_799 : memref<1x256x128xf32, #tpu.memory_space<vmem>> -> memref<256x128xf32, #tpu.memory_space<vmem>>
    %dma_wait3A_801 = arith.constant 0 : i32
    %dma_wait3A_802 = tpu.memref_slice %arg11[%add3A_714, %dma_wait3A_801] : memref<16384x128xf32, #tpu.memory_space<hbm>> -> memref<256x128xf32, #tpu.memory_space<hbm>>
    %dma_wait3A_803 = tpu.memref_slice %arg17[%dma_wait3A_796] : memref<3x!tpu.dma_semaphore, #tpu.memory_space<semaphore_mem>> -> memref<1x!tpu.dma_semaphore, #tpu.memory_space<semaphore_mem>>
    %dma_wait3A_804 = tpu.memref_squeeze %dma_wait3A_803 : memref<1x!tpu.dma_semaphore, #tpu.memory_space<semaphore_mem>> -> memref<!tpu.dma_semaphore, #tpu.memory_space<semaphore_mem>>
    %dma_wait3A_805 = arith.constant 0 : i32
    %dma_wait3A_806 = tpu.memref_slice %arg11[%add3A_714, %dma_wait3A_805] : memref<16384x128xf32, #tpu.memory_space<hbm>> -> memref<256x128xf32, #tpu.memory_space<hbm>>
    %dma_wait3A_807 = arith.constant 0 : i32
    %dma_wait3A_808 = arith.constant 0 : i32
    %dma_wait3A_809 = tpu.memref_slice %arg13[%dma_wait3A_795, %dma_wait3A_807, %dma_wait3A_808] : memref<3x256x128xf32, #tpu.memory_space<vmem>> -> memref<1x256x128xf32, #tpu.memory_space<vmem>>
    %dma_wait3A_810 = tpu.memref_squeeze %dma_wait3A_809 : memref<1x256x128xf32, #tpu.memory_space<vmem>> -> memref<256x128xf32, #tpu.memory_space<vmem>>
    tpu.wait_dma2 semaphore(%dma_wait3A_804 : memref<!tpu.dma_semaphore, #tpu.memory_space<semaphore_mem>>) src(%dma_wait3A_810 : memref<256x128xf32, #tpu.memory_space<vmem>>) dst(%dma_wait3A_806 : memref<256x128xf32, #tpu.memory_space<hbm>>)
    %dma_wait3A_811 = arith.constant 1 : i32
    %dma_wait3A_812 = arith.constant 1 : i32
    %dma_wait3A_813 = arith.constant 0 : i32
    %dma_wait3A_814 = arith.constant 0 : i32
    %dma_wait3A_815 = tpu.memref_slice %arg13[%dma_wait3A_811, %dma_wait3A_813, %dma_wait3A_814] : memref<3x256x128xf32, #tpu.memory_space<vmem>> -> memref<1x256x128xf32, #tpu.memory_space<vmem>>
    %dma_wait3A_816 = tpu.memref_squeeze %dma_wait3A_815 : memref<1x256x128xf32, #tpu.memory_space<vmem>> -> memref<256x128xf32, #tpu.memory_space<vmem>>
    %dma_wait3A_817 = arith.constant 0 : i32
    %dma_wait3A_818 = tpu.memref_slice %arg9[%add3A_762, %dma_wait3A_817] : memref<16384x128xf32, #tpu.memory_space<hbm>> -> memref<256x128xf32, #tpu.memory_space<hbm>>
    %dma_wait3A_819 = tpu.memref_slice %arg17[%dma_wait3A_812] : memref<3x!tpu.dma_semaphore, #tpu.memory_space<semaphore_mem>> -> memref<1x!tpu.dma_semaphore, #tpu.memory_space<semaphore_mem>>
    %dma_wait3A_820 = tpu.memref_squeeze %dma_wait3A_819 : memref<1x!tpu.dma_semaphore, #tpu.memory_space<semaphore_mem>> -> memref<!tpu.dma_semaphore, #tpu.memory_space<semaphore_mem>>
    %dma_wait3A_821 = arith.constant 0 : i32
    %dma_wait3A_822 = tpu.memref_slice %arg9[%add3A_762, %dma_wait3A_821] : memref<16384x128xf32, #tpu.memory_space<hbm>> -> memref<256x128xf32, #tpu.memory_space<hbm>>
    %dma_wait3A_823 = arith.constant 0 : i32
    %dma_wait3A_824 = arith.constant 0 : i32
    %dma_wait3A_825 = tpu.memref_slice %arg13[%dma_wait3A_811, %dma_wait3A_823, %dma_wait3A_824] : memref<3x256x128xf32, #tpu.memory_space<vmem>> -> memref<1x256x128xf32, #tpu.memory_space<vmem>>
    %dma_wait3A_826 = tpu.memref_squeeze %dma_wait3A_825 : memref<1x256x128xf32, #tpu.memory_space<vmem>> -> memref<256x128xf32, #tpu.memory_space<vmem>>
    tpu.wait_dma2 semaphore(%dma_wait3A_820 : memref<!tpu.dma_semaphore, #tpu.memory_space<semaphore_mem>>) src(%dma_wait3A_826 : memref<256x128xf32, #tpu.memory_space<vmem>>) dst(%dma_wait3A_822 : memref<256x128xf32, #tpu.memory_space<hbm>>)
    return
  }
}

</mosaic_0001>

<sc_bundles>
// kernel: kernel.3.cloned.1.call-start
scs
__scs_entry_jumppad:
0x0: {  	(pc) =	sbr.rel $0x88, $3  }
0x1: {  	(tag) =	ssettag $0x0;
	lr =	simm.s32 $0x1  }
0x2: {  	[smem:$0x3F9B] =	sst lr;
	_ =	strace $0xD0000000  }
0x3: {  	_ = 	snop  }
0x4: {  	_ = 	snop  }
0x5: {  	_ = 	snop  }
0x6: {  	_ = 	snop  }
0x7: {  	_ = 	snop  }
__scs_overlays_trampoline_lowered:
0x8: {  	[smem:$0x3FAA] =	sst s0  }
0x9: {  	[smem:$0x3FAB] =	sst s1  }
0xa: {  	[smem:$0x3FAC] =	sst s2  }
0xb: {  	[smem:$0x3FAD] =	sst s3  }
0xc: {  	[smem:$0x3FAE] =	sst s4  }
0xd: {  	[smem:$0x3FAF] =	sst s5  }
0xe: {  	[smem:$0x3FB0] =	sst s6  }
0xf: {  	[smem:$0x3FB1] =	sst s7  }
0x10: {  	[smem:$0x3FB2] =	sst s8  }
0x11: {  	[smem:$0x3FB3] =	sst s9;
	s0 =	simm.s32 @!p0 $0x0  }
0x12: {  	s1 =	sld [smem:$0x3F99];
	s0 =	simm.s32 @p0 $0x1  }
0x13: {  	[smem:$0x3FB4] =	sst s0;
	s0 =	simm.s32 @!p1 $0x0  }
0x14: {  	s2 =	sld [smem:$0x3F98];
	s0 =	simm.s32 @p1 $0x1  }
0x15: {  	[smem:$0x3FB5] =	sst s0;
	s0 =	simm.s32 @!p2 $0x0  }
0x16: {  	s3 =	sld [smem:$0x3FDB];
	s0 =	simm.s32 @p2 $0x1  }
0x17: {  	s4 =	simm.s32 $0x1BF5;
	[smem:$0x3FB7] =	sst s0  }
0x18: {  	s0 =	sld [smem:$0x3F9A];
	_ =	swait.ge [sflag:s4], $0x0  }
0x19: {  	s7 =	sld [smem:$0x3F9B]  }
0x1a: {  	s8 =	sadd.s32 $0xFFFFE003, lr  }
0x1b: {  	s9 =	sadd.s32 $0xFFFFFEF7, lr;
	s5 =	simm.s32 $0xFFFFFFFF;
	p2 =	slt.u32 s8, $0xFFFFF086  }
0x1c: {  	p1 =	slt.u32 s9, $0xF7A;
	s5 =	simm.s32 @!p2 $0x0  }
0x1d: {  	s5 =	simm.s32 @p1 $0x1;
	p0 =	seq.s32 s7, s2  }
0x1e: {  	s7 =	smul.u32 @!p0 $0xF7A, s2;
	p2 =	seq.s32 @!p0 s5, $0x0  }
0x1f: {  	s9 =	smul.u32 $0xF7A, s1;
	s8 =	simm.s32 @!p0 $0x1BF5;
	p2 =	por !p2, p0  }
0x20: {  	[sflag:s8] =	ssyncset.s32 @!p0 $0xFFFFF086;
	s6 =	sadd.s32 @!p0 s3, s7;
	s7 =	simm.s32 @!p0 $0x108  }
0x21: {  	s3 =	sadd.s32 s3, s9;
	s6 =	sadd.s32 @!p0 $0x88, s6;
	s7 =	simm.s32 @p2 $0x1082  }
0x22: {  	[simem:s7], [sflag:s8] =	dma.local @!p0 [hbm:s6], $0xF7A  }
0x23: {  	s9 =	sor.u32 $0xD0000000, s2;
	s6 =	simm.s32 $0x108;
	_ =	swait.ge @!p0 [sflag:s8], $0x0  }
0x24: {  	s3 =	sadd.s32 $0x88, s3;
	s6 =	simm.s32 @!p1 $0x1082;
	[sflag:s4] =	ssyncset.s32 $0xFFFFF086  }
0x25: {  	[simem:s6], [sflag:s4] =	dma.local [hbm:s3], $0xF7A  }
0x26: {  	[smem:$0x3F9B] =	sst s1;
	(tag) =	ssettag s2;
	_ =	strace s9  }
0x27: {  	s1 =	sld [smem:$0x3FAB]  }
0x28: {  	s2 =	sld [smem:$0x3FAC]  }
0x29: {  	s4 =	sld [smem:$0x3FAE]  }
0x2a: {  	p0 =	seq.s32 s5, $0x0;
	s5 =	sld [smem:$0x3FAF]  }
0x2b: {  	s6 =	sld [smem:$0x3FB0]  }
0x2c: {  	s7 =	sld [smem:$0x3FB1]  }
0x2d: {  	s3 =	simm.s32 $0x108;
	s8 =	sld [smem:$0x3FB2]  }
0x2e: {  	s3 =	simm.s32 @!p0 $0x1082;
	s9 =	sld [smem:$0x3FB3]  }
0x2f: {  	lr =	sadd.s32 s0, s3;
	s0 =	sld [smem:$0x3FAA]  }
0x30: {  	s3 =	sld [smem:$0x3FAD]  }
0x31: {  	[smem:$0x3FB6] =	sst s10  }
0x32: {  	s10 =	sld [smem:$0x3FB4];
	_ =	sdelay $0x3  }
0x33: {  	p0 =	seq.s32 s10, $0x1;
	s10 =	sld [smem:$0x3FB6];
	_ =	sdelay $0x3  }
0x34: {  	[smem:$0x3FB6] =	sst s10  }
0x35: {  	s10 =	sld [smem:$0x3FB5];
	_ =	sdelay $0x3  }
0x36: {  	p1 =	seq.s32 s10, $0x1;
	s10 =	sld [smem:$0x3FB6];
	_ =	sdelay $0x3  }
0x37: {  	[smem:$0x3FB6] =	sst s10  }
0x38: {  	s10 =	sld [smem:$0x3FB7]  }
0x39: {  	_ = 	snop;
	(pc) =	sbr.ind lr, $3  }
0x3a: {  	_ = 	snop  }
0x3b: {  	_ = 	snop  }
0x3c: {  	p2 =	seq.s32 s10, $0x1;
	s10 =	sld [smem:$0x3FB6]  }
0x3d: {  	_ =	shalt  }
0x3e: {  	_ =	shalt  }
0x3f: {  	_ =	shalt  }
0x40: {  	_ =	shalt  }
0x41: {  	_ =	shalt  }
0x42: {  	_ =	shalt  }
0x43: {  	_ =	shalt  }
0x44: {  	_ =	shalt  }
0x45: {  	_ =	shalt  }
0x46: {  	_ =	shalt  }
0x47: {  	_ =	shalt  }
0x48: {  	_ =	shalt  }
0x49: {  	_ =	shalt  }
0x4a: {  	_ =	shalt  }
0x4b: {  	_ =	shalt  }
0x4c: {  	_ =	shalt  }
0x4d: {  	_ =	shalt  }
0x4e: {  	_ =	shalt  }
0x4f: {  	_ =	shalt  }
0x50: {  	_ =	shalt  }
0x51: {  	_ =	shalt  }
0x52: {  	_ =	shalt  }
0x53: {  	_ =	shalt  }
0x54: {  	_ =	shalt  }
0x55: {  	_ =	shalt  }
0x56: {  	_ =	shalt  }
0x57: {  	_ =	shalt  }
0x58: {  	_ =	shalt  }
0x59: {  	_ =	shalt  }
0x5a: {  	_ =	shalt  }
0x5b: {  	_ =	shalt  }
0x5c: {  	_ =	shalt  }
0x5d: {  	_ =	shalt  }
0x5e: {  	_ =	shalt  }
0x5f: {  	_ =	shalt  }
0x60: {  	_ =	shalt  }
0x61: {  	_ =	shalt  }
0x62: {  	_ =	shalt  }
0x63: {  	_ =	shalt  }
0x64: {  	_ =	shalt  }
0x65: {  	_ =	shalt  }
0x66: {  	_ =	shalt  }
0x67: {  	_ =	shalt  }
0x68: {  	_ =	shalt  }
0x69: {  	_ =	shalt  }
0x6a: {  	_ =	shalt  }
0x6b: {  	_ =	shalt  }
0x6c: {  	_ =	shalt  }
0x6d: {  	_ =	shalt  }
0x6e: {  	_ =	shalt  }
0x6f: {  	_ =	shalt  }
0x70: {  	_ =	shalt  }
0x71: {  	_ =	shalt  }
0x72: {  	_ =	shalt  }
0x73: {  	_ =	shalt  }
0x74: {  	_ =	shalt  }
0x75: {  	_ =	shalt  }
0x76: {  	_ =	shalt  }
0x77: {  	_ =	shalt  }
0x78: {  	_ =	shalt  }
0x79: {  	_ =	shalt  }
0x7a: {  	_ =	shalt  }
0x7b: {  	_ =	shalt  }
0x7c: {  	_ =	shalt  }
0x7d: {  	_ =	shalt  }
0x7e: {  	_ =	shalt  }
0x7f: {  	_ =	shalt  }
0x80: {  	_ =	shalt  }
0x81: {  	_ =	shalt  }
0x82: {  	_ =	shalt  }
0x83: {  	_ =	shalt  }
0x84: {  	_ =	shalt  }
0x85: {  	_ =	shalt  }
0x86: {  	_ =	shalt  }
0x87: {  	_ =	shalt  }
.Lfunc_end0:
.L_simem_size_0:
called_computation_lowered:
.L_overlay_start_0:
0x88: {  	s2 =	sld [smem:$0x3FD9]  }
0x89: {  	s3 =	sld [smem:$0x3FFE];
	_ =	sdelay $0x1  }
0x8a: {  	s1 =	srdreg.scid  }
0x8b: {  	s0 =	sand.u32 $0x1, s1  }
0x8c: {  	s30 =	sshll.u32 s0, $0xA;
	s2 =	sadd.s32 s3, s2  }
0x8d: {  	s2 =	sadd.s32 s2, s30  }
0x8e: {  	[smem:$0x3FC2] =	sst s2  }
0x8f: {  	_ = 	snop  }
0x90: {  	s2 =	sld [smem:$0x3FC9]  }
0x91: {  	s31 =	sld [smem:$0x3FC8]  }
0x92: {  	s4 =	sld [smem:$0x3FC7]  }
0x93: {  	s5 =	sld [smem:$0x3FD0]  }
0x94: {  	s6 =	sld [smem:$0x3FC6]  }
0x95: {  	s7 =	sld [smem:$0x3FC5]  }
0x96: {  	s9 =	simm.s32 $0xA;
	s10 =	simm.s32 $0x10;
	s8 =	sld [smem:$0x3FC4]  }
0x97: {  	[smem:s10], [sflag:s9] =	dma.local [hbm:s5], $0x1  }
0x98: {  	_ =	swait.eq [sflag:s9], $0x1  }
0x99: {  	s17 =	sld [smem:$0x10]  }
0x9a: {  	s18 =	sld [smem:$0x11];
	[sflag:s9] =	ssyncset.done $0x0  }
0x9b: {  	s11 =	sld [smem:$0x12];
	[sflag:s9] =	ssyncadd.s32 $0xFFFFFFFF  }
0x9c: {  	s19 =	sld [smem:$0x13];
	(tm) =	ssettm $0x1  }
0x9d: {  	s12 =	sld [smem:$0x3FFB];
	_ =	sdelay $0x3  }
0x9e: {  	_ =	strace s12  }
0x9f: {  	s12 =	sld [smem:$0x3FFC];
	_ =	sdelay $0x3  }
0xa0: {  	_ =	strace s12  }
0xa1: {  	s12 =	sld [smem:$0x3FFD];
	_ =	sdelay $0x3  }
0xa2: {  	_ =	strace s12  }
0xa3: {  	_ =	strace $0x8FFFFFFF  }
0xa4: {  	s20 =	sld [smem:$0x3FDB];
	_ =	sdelay $0x1  }
0xa5: {  	s13 =	simm.s32 $_scs_section_size  }
0xa6: {  	s14 =	simm.s32 $_size__tile_overlayer_lowered;
	s15 =	simm.s32 $_tile_overlayer_lowered  }
0xa7: {  	s23 =	simm.s32 $0x1BFF;
	s22 =	sshll.u32 s15, $0x1;
	s12 =	sadd.s32 s13, s20  }
0xa8: {  	s16 =	simm.s32 $0x0;
	s21 =	sshll.u32 s14, $0x1;
	s14 =	sadd.s32 s22, s12  }
0xa9: {  	[timem:s16], [sflag:s23] =	dma.local [hbm:s14], s21  }
0xaa: {  	_ =	swait.ge [sflag:s23], s21  }
0xab: {  	s13 =	ssub.s32 $0x0, s21;
	[sflag:s23] =	ssyncset.done $0x0  }
0xac: {  	[sflag:s23] =	ssyncadd.s32 s13;
	_ =	sdelay $0x1  }
0xad: {  	s24 =	simm.s32 $0x1B8B  }
0xae: {  	_ =	swait.ge [sflag:s24], $0x1  }
0xaf: {  	[sflag:s24] =	ssyncset.done $0x0  }
0xb0: {  	s25 =	simm.s32 $0x1B8E;
	[sflag:s24] =	ssyncadd.s32 $0xFFFFFFFF  }
0xb1: {  	s26 =	simm.s32 $execute0_lowered;
	[smem:$0x3FD2] =	sst s25  }
0xb2: {  	s13 =	sshll.u32 s26, $0x1;
	_ =	strace $0x80000046;
	[dreg:$0x1] =	wrdreg $0xFFFFFFFF  }
0xb3: {  	s28 =	simm.s32 $_size_execute0_lowered;
	s12 =	sadd.s32 s12, s13;
	[dreg:$0x0] =	wrdreg $0x0  }
0xb4: {  	s13 =	sshll.u32 s28, $0x1;
	[dreg:$0x2] =	wrdreg s12  }
0xb5: {  	[dreg:$0x3] =	wrdreg s13  }
0xb6: {  	[dreg:$0x4] =	wrdreg $0xC0  }
0xb7: {  	_ =	task [dreg:s16], $0x5FFFF  }
0xb8: {  	[dreg:$0x1] =	wrdreg $0xFFFFFFFF  }
0xb9: {  	[dreg:$0x0] =	wrdreg $0x60  }
0xba: {  	[dreg:$0x2] =	wrdreg s2  }
0xbb: {  	[dreg:$0x3] =	wrdreg s31  }
0xbc: {  	[dreg:$0x4] =	wrdreg s4  }
0xbd: {  	[dreg:$0x5] =	wrdreg s6  }
0xbe: {  	[dreg:$0x6] =	wrdreg s7  }
0xbf: {  	[dreg:$0x7] =	wrdreg s8  }
0xc0: {  	[dreg:$0x8] =	wrdreg s17  }
0xc1: {  	[dreg:$0x9] =	wrdreg s18  }
0xc2: {  	[dreg:$0xa] =	wrdreg s11  }
0xc3: {  	[dreg:$0xb] =	wrdreg s19  }
0xc4: {  	[dreg:$0xc] =	wrdreg $0x188000  }
0xc5: {  	[dreg:$0xd] =	wrdreg $0x9  }
0xc6: {  	_ =	task.clear_ibuf [dreg:s16], $0xEFFFF;
	_ =	strace $0x90000046  }
0xc7: {  	s29 =	simm.s32 $0x9;
	_ =	strace $0x80000048  }
0xc8: {  	_ =	swait.ge [sflag:s29], $0x1  }
0xc9: {  	[sflag:s29] =	ssyncadd.s32 $0xFFFFFFFF  }
0xca: {  	_ =	strace $0x90000048  }
0xcb: {  	_ =	sfence  }
0xcc: {  	s30 =	sld [smem:$0x0];
	_ =	sdelay $0x2  }
0xcd: {  	s31 =	sshll.u32 s1, $0xD;
	s1 =	sshrl.u32 s1, $0x2  }
0xce: {  	s3 =	sand.u32 $0x4000, s31;
	s1 =	sadd.s32 s1, s30  }
0xcf: {  	s0 =	sor.u32 s3, s0;
	s1 =	sshll.u32 s1, $0x11  }
0xd0: {  	s0 =	sor.u32 s1, s0  }
0xd1: {  	s0 =	sadd.s32 $0x8F2B, s0  }
0xd2: {  	[sflag:s0] =	ssyncadd.remote.s32 $0x1  }
0xd3: {  	_ =	sfence.sel $0xFFFF  }
0xd4: {  	[dreg:$0x0] =	wrdreg $0xFFFFFFFF;
	(pc) =	sbr.abs _section_cstart, $3  }
0xd5: {  	[dreg:$0x1] =	wrdreg $0xFFFFFFFF  }
0xd6: {  	_ =	task.clear_ibuf [dreg:s16], $0x2FFFF;
	_ =	strace $0x9FFFFFFF  }
0xd7: {  	(tm) =	ssettm $0x7FFFFFFF  }
tec
execute0_lowered:
.L_overlay_start_1:
0x0: {  	(tag) =	ssettag $0x1  }
0x1: {  	s0 =	rddreg [dreg:$0x0]  }
0x2: {  	s4 =	rddreg [dreg:$0x1]  }
0x3: {  	s5 =	rddreg [dreg:$0x2]  }
0x4: {  	s6 =	rddreg [dreg:$0x3]  }
0x5: {  	s29 =	rddreg [dreg:$0x4]  }
0x6: {  	s1 =	rddreg [dreg:$0x5]  }
0x7: {  	s7 =	rddreg [dreg:$0x6]  }
0x8: {  	s8 =	rddreg [dreg:$0x7]  }
0x9: {  	s9 =	rddreg [dreg:$0x8]  }
0xa: {  	s19 =	srdreg.scid;
	s10 =	rddreg [dreg:$0x9]  }
0xb: {  	s13 =	stileid.u32;
	s2 =	rddreg [dreg:$0xa]  }
0xc: {  	s30 =	simm.s32 $0x400;
	s31 =	simm.s32 $0x600;
	s14 =	sand.u32 $0x1, s19  }
0xd: {  	s28 =	simm.s32 $0x500;
	s11 =	sshll.u32 s13, $0xA;
	s12 =	sshll.u32 s14, $0x9  }
0xe: {  	p1 =	por $0x0, $0x0;
	[dreg:$0xc] =	wrdreg s1;
	s11 =	sor.u32 s12, s11  }
0xf: {  	s1 =	simm.s32 $0x0;
	p0 =	sne.s32 s13, $0x0;
	s12 =	sshll.u32 s11, $0x4  }
0x10: {  	s13 =	simm.s32 $0x2;
	[smem:$0x7FF] =	sst s1;
	s15 =	sadd.s32 s7, s12  }
0x11: {  	_ =	strace $0x80000047;
	s20 =	sadd.s32 s9, s12;
	[dreg:$0xd] =	wrdreg s15  }
0x12: {  	s24 =	sshrl.u32 s11, $0x3;
	s21 =	sadd.s32 s10, s12;
	[dreg:$0xe] =	wrdreg s20  }
0x13: {  	s22 =	sadd.s32 s8, s12;
	s12 =	sor.u32 $0x1000, s12;
	[dreg:$0xf] =	wrdreg s21  }
0x14: {  	s0 =	sadd.s32 s0, s24;
	s19 =	sadd.s32 s6, s24;
	[dreg:$0x10] =	wrdreg s22  }
0x15: {  	s6 =	simm.s32 $0x8800;
	s7 =	sadd.s32 s7, s12;
	[smem:$0x7FB] =	sst s19  }
0x16: {  	s23 =	sadd.s32 s9, s12;
	s25 =	sadd.s32 s10, s12;
	[dreg:$0x11] =	wrdreg s7  }
0x17: {  	s26 =	sadd.s32 s8, s12;
	s3 =	sadd.s32 $0x10, s0;
	[dreg:$0x12] =	wrdreg s23  }
0x18: {  	s8 =	sadd.s32 $0x20, s0;
	s22 =	sadd.s32 s5, s24;
	[dreg:$0x13] =	wrdreg s25  }
0x19: {  	s10 =	sadd.s32 $0x30, s0;
	s15 =	sadd.s32 s4, s24;
	[dreg:$0x14] =	wrdreg s26  }
0x1a: {  	s21 =	ssub.s32 $0x2, s14;
	s14 =	simm.s32 $0x10800;
	[dreg:$0x15] =	wrdreg s3  }
0x1b: {  	s4 =	simm.s32 $0x6;
	s9 =	simm.s32 $0x7;
	[dreg:$0x16] =	wrdreg s8  }
0x1c: {  	[dreg:$0x17] =	wrdreg s10;
	s11 =	sadd.s32 $0x10, s22;
	s12 =	sadd.s32 $0x20, s22  }
0x1d: {  	s16 =	sadd.s32 $0x30, s22;
	s17 =	sadd.s32 $0x10, s15;
	[smem:$0x7FA] =	sst s15  }
0x1e: {  	s18 =	sadd.s32 $0x20, s15;
	s20 =	sadd.s32 $0x30, s15;
	[dreg:$0x18] =	wrdreg s11  }
0x1f: {  	s23 =	sadd.s32 $0x10, s19;
	s24 =	sshrl.u32 s21, $0x1;
	[dreg:$0x19] =	wrdreg s12  }
0x20: {  	s25 =	sadd.s32 $0x20, s19;
	s26 =	sadd.s32 $0x30, s19;
	[dreg:$0x1a] =	wrdreg s16  }
0x21: {  	s8 =	simm.s32 $0x80;
	[dreg:$0x1b] =	wrdreg s17;
	s5 =	ssub.s32 s21, s24  }
0x22: {  	s3 =	simm.s32 $0x700;
	[dreg:$0x1c] =	wrdreg s18;
	s5 =	smax.u32 s5, $0x1  }
0x23: {  	s7 =	simm.s32 $0x800;
	[dreg:$0x1d] =	wrdreg s20;
	s12 =	sadd.s32 $0xFFFFFFFF, s5  }
0x24: {  	s19 =	simm.s32 $0x4800;
	[dreg:$0x1e] =	wrdreg s23;
	p2 =	sne.s32 s12, $0x0  }
.Ltmp0:
0x25: {  	s10 =	simm.s32 $0x3;
	[dreg:$0x1f] =	wrdreg s25;
	(pc) =	sbr.rel @!p2 .LBB2_5-.Ltmp0, $4  }
0x26: {  	[smem:$0x7FC] =	sst s26;
	s11 =	simm.s32 $0x200;
	s25 =	simm.s32 $0x480  }
0x27: {  	s23 =	simm.s32 $0x680;
	s17 =	simm.s32 $0x300;
	s24 =	simm.s32 $0x580  }
0x28: {  	s26 =	simm.s32 $0x780;
	s18 =	simm.s32 $0x1;
	s21 =	sshrl.u32 @!p0 s2, $0x3  }
0x29: {  	s16 =	simm.s32 $0x4;
	[smem:$0x7FD] =	sst s21;
	s5 =	simm.s32 $0x5  }
0x2a: {  	s21 =	rddreg [dreg:$0x15]  }
0x2b: {  	[tilespmem:s1], [sflag:$0x1] =	stream.linear.gather [hbm4b:s0+s1], $0x80, $0x38;
	[tilespmem:$0x1A740] =	vst v63  }
0x2c: {  	s15 =	smov.u32 s22;
	s22 =	rddreg [dreg:$0x16]  }
0x2d: {  	[smem:$0x7F8] =	sst s0  }
0x2e: {  	[tilespmem:s11], [sflag:$0x1] =	stream.linear.gather [hbm4b:s21+s1], $0x80, $0x38;
	[tilespmem:$0x1A740] =	vst v63  }
0x2f: {  	[smem:$0x7F7] =	sst s15  }
0x30: {  	[tilespmem:s30], [sflag:$0x1] =	stream.linear.gather [hbm4b:s22+s1], $0x80, $0x38;
	[tilespmem:$0x1A740] =	vst v63  }
0x31: {  	s11 =	rddreg [dreg:$0x17]  }
0x32: {  	[tilespmem:s31], [sflag:$0x1] =	stream.linear.gather [hbm4b:s11+s1], $0x80, $0x38;
	[tilespmem:$0x1A740] =	vst v63  }
0x33: {  	s22 =	rddreg [dreg:$0x19]  }
0x34: {  	[tilespmem:s8], [sflag:$0x1] =	stream.linear.gather [hbm4b:s15+s1], $0x80, $0x38;
	[tilespmem:$0x1A740] =	vst v63  }
0x35: {  	s11 =	rddreg [dreg:$0x18];
	s15 =	simm.s32 $0x280  }
0x36: {  	[tilespmem:s15], [sflag:$0x1] =	stream.linear.gather [hbm4b:s11+s1], $0x80, $0x38;
	[tilespmem:$0x1A740] =	vst v63  }
0x37: {  	s15 =	rddreg [dreg:$0x1a]  }
0x38: {  	[tilespmem:s25], [sflag:$0x1] =	stream.linear.gather [hbm4b:s22+s1], $0x80, $0x38;
	[tilespmem:$0x1A740] =	vst v63  }
0x39: {  	s11 =	sld [smem:$0x7FA]  }
0x3a: {  	[tilespmem:s23], [sflag:$0x1] =	stream.linear.gather [hbm4b:s15+s1], $0x80, $0x38;
	[tilespmem:$0x1A740] =	vst v63  }
0x3b: {  	s0 =	simm.s32 $0x100;
	s21 =	rddreg [dreg:$0x1b]  }
0x3c: {  	[tilespmem:s0], [sflag:$0x1] =	stream.linear.gather [hbm4b:s11+s1], $0x80, $0x38;
	[tilespmem:$0x1A740] =	vst v63  }
0x3d: {  	s15 =	rddreg [dreg:$0x1c]  }
0x3e: {  	[tilespmem:s17], [sflag:$0x1] =	stream.linear.gather [hbm4b:s21+s1], $0x80, $0x38;
	[tilespmem:$0x1A740] =	vst v63  }
0x3f: {  	s11 =	rddreg [dreg:$0x1d]  }
0x40: {  	[tilespmem:s28], [sflag:$0x1] =	stream.linear.gather [hbm4b:s15+s1], $0x80, $0x38;
	[tilespmem:$0x1A740] =	vst v63  }
0x41: {  	s15 =	sld [smem:$0x7FB]  }
0x42: {  	[tilespmem:s3], [sflag:$0x1] =	stream.linear.gather [hbm4b:s11+s1], $0x80, $0x38;
	[tilespmem:$0x1A740] =	vst v63  }
0x43: {  	s21 =	rddreg [dreg:$0x1e];
	s17 =	simm.s32 $0x180  }
0x44: {  	[tilespmem:s17], [sflag:$0x1] =	stream.linear.gather [hbm4b:s15+s1], $0x80, $0x38;
	[tilespmem:$0x1A740] =	vst v63  }
0x45: {  	s20 =	simm.s32 $0x380;
	s11 =	rddreg [dreg:$0x1f]  }
0x46: {  	[tilespmem:s20], [sflag:$0x1] =	stream.linear.gather [hbm4b:s21+s1], $0x80, $0x38;
	[tilespmem:$0x1A740] =	vst v63  }
0x47: {  	s15 =	sld [smem:$0x7FC]  }
0x48: {  	[tilespmem:s24], [sflag:$0x1] =	stream.linear.gather [hbm4b:s11+s1], $0x80, $0x38;
	[tilespmem:$0x1A740] =	vst v63  }
0x49: {  	_ = 	snop  }
0x4a: {  	[tilespmem:s26], [sflag:$0x1] =	stream.linear.gather [hbm4b:s15+s1], $0x80, $0x38;
	[tilespmem:$0x1A740] =	vst v63  }
0x4b: {  	s15 =	sld [smem:$0x7FD]  }
0x4c: {  	[smem:$0x7F9] =	sst s12  }
0x4d: {  	s22 =	rddreg [dreg:$0xc];
	s17 =	simm.s32 @!p0 $0x1C08;
	s21 =	simm.s32 @!p0 $0x8  }
0x4e: {  	[spmem:s15], [sflag:s17] =	dma.local @!p0 [hbm:s22], $0x3E80  }
0x4f: {  	_ =	swait.ge @!p0 [sflag:s21], $0x3E80  }
0x50: {  	[sflag:s21] =	ssyncset.done @!p0 $0x0  }
0x51: {  	[sflag:s21] =	ssyncadd.s32 @!p0 $0xFFFFC180  }
0x52: {  	_ =	swait.ge [sflag:s18], $0x200  }
0x53: {  	[sflag:s18] =	ssyncset.done $0x0  }
0x54: {  	[sflag:s18] =	ssyncadd.s32 $0xFFFFFE00  }
0x55: {  	_ =	swait.ge [sflag:s18], $0x200  }
0x56: {  	[sflag:s18] =	ssyncset.done $0x0  }
0x57: {  	[sflag:s18] =	ssyncadd.s32 $0xFFFFFE00  }
0x58: {  	_ =	swait.ge [sflag:s18], $0x200  }
0x59: {  	[sflag:s18] =	ssyncset.done $0x0  }
0x5a: {  	[sflag:s18] =	ssyncadd.s32 $0xFFFFFE00  }
0x5b: {  	_ =	swait.ge [sflag:s18], $0x200  }
0x5c: {  	[sflag:s18] =	ssyncset.done $0x0  }
0x5d: {  	[sflag:s18] =	ssyncadd.s32 $0xFFFFFE00  }
0x5e: {  	[tilespmem:s7], [sflag:$0x2] =	stream.indirect.gather [hbm4b:s29+s8], $0x80, s1, s8, $0xb8;
	[tilespmem:$0x1A740] =	vst v63  }
0x5f: {  	s12 =	simm.s32 $0x200  }
0x60: {  	[tilespmem:s19], [sflag:$0x2] =	stream.indirect.gather [hbm4b:s29+s8], $0x80, s12, s8, $0xb8;
	[tilespmem:$0x1A740] =	vst v63  }
0x61: {  	_ = 	snop  }
0x62: {  	[tilespmem:s6], [sflag:$0x3] =	stream.indirect.gather [hbm4b:s29+s8], $0x80, s0, s8, $0xb8;
	[tilespmem:$0x1A740] =	vst v63  }
0x63: {  	s20 =	simm.s32 $0x300;
	s17 =	simm.s32 $0xC800  }
0x64: {  	[tilespmem:s17], [sflag:$0x3] =	stream.indirect.gather [hbm4b:s29+s8], $0x80, s20, s8, $0xb8;
	[tilespmem:$0x1A740] =	vst v63  }
0x65: {  	s11 =	simm.s32 $0x180  }
0x66: {  	[tilespmem:s14], [sflag:$0x4] =	stream.indirect.gather [hbm4b:s29+s8], $0x80, s11, s8, $0xb8;
	[tilespmem:$0x1A740] =	vst v63  }
0x67: {  	s0 =	simm.s32 $0x14800;
	s20 =	simm.s32 $0x380  }
0x68: {  	[tilespmem:s0], [sflag:$0x4] =	stream.indirect.gather [hbm4b:s29+s8], $0x80, s20, s8, $0xb8;
	[tilespmem:$0x1A740] =	vst v63  }
0x69: {  	_ =	swait.ge [sflag:s13], $0x4000  }
0x6a: {  	[sflag:s13] =	ssyncset.done $0x0  }
0x6b: {  	[sflag:s13] =	ssyncadd.s32 $0xFFFFC000  }
0x6c: {  	_ =	swait.ge [sflag:s13], $0x4000  }
0x6d: {  	[sflag:s13] =	ssyncset.done $0x0  }
0x6e: {  	s21 =	rddreg [dreg:$0xd];
	[sflag:s13] =	ssyncadd.s32 $0xFFFFC000  }
0x6f: {  	[hbm4b:s21+s1] =	stream.linear.scatter [tilespmem:s7], [sflag:$0x5], $0x8000, $0x38;
	[tilespmem:$0x1A740] =	vst v63  }
0x70: {  	[bflag:$0x0] =	sbarrier.arrive $0xFFFF  }
0x71: {  	_ =	swait.ge [sflag:s5], $0x8000  }
0x72: {  	[sflag:s5] =	ssyncset.done $0x0  }
0x73: {  	[sflag:s5] =	ssyncadd.s32 $0xFFFF8000  }
0x74: {  	[tilespmem:s7], [sflag:$0x2] =	stream.indirect.gather [spmem:s2], $0x80, s8, s8, $0xb8;
	[tilespmem:$0x1A740] =	vst v63  }
0x75: {  	s22 =	simm.s32 $0x280  }
0x76: {  	[tilespmem:s19], [sflag:$0x2] =	stream.indirect.gather [spmem:s2], $0x80, s22, s8, $0xb8;
	[tilespmem:$0x1A740] =	vst v63  }
0x77: {  	_ =	swait.ge [sflag:s10], $0x4000  }
0x78: {  	[sflag:s10] =	ssyncset.done $0x0  }
0x79: {  	[sflag:s10] =	ssyncadd.s32 $0xFFFFC000  }
0x7a: {  	_ =	swait.ge [sflag:s10], $0x4000  }
0x7b: {  	[sflag:s10] =	ssyncset.done $0x0  }
0x7c: {  	s15 =	rddreg [dreg:$0xe];
	[sflag:s10] =	ssyncadd.s32 $0xFFFFC000  }
0x7d: {  	[hbm4b:s15+s1] =	stream.linear.scatter [tilespmem:s6], [sflag:$0x6], $0x8000, $0x38;
	[tilespmem:$0x1A740] =	vst v63  }
0x7e: {  	_ =	swait.ge [sflag:s4], $0x8000  }
0x7f: {  	[sflag:s4] =	ssyncset.done $0x0  }
0x80: {  	[sflag:s4] =	ssyncadd.s32 $0xFFFF8000  }
0x81: {  	[tilespmem:s6], [sflag:$0x3] =	stream.indirect.gather [hbm4b:s29+s8], $0x80, s30, s8, $0xb8;
	[tilespmem:$0x1A740] =	vst v63  }
0x82: {  	_ = 	snop  }
0x83: {  	[tilespmem:s17], [sflag:$0x3] =	stream.indirect.gather [hbm4b:s29+s8], $0x80, s31, s8, $0xb8;
	[tilespmem:$0x1A740] =	vst v63  }
0x84: {  	_ =	swait.ge [sflag:s16], $0x4000  }
0x85: {  	[sflag:s16] =	ssyncset.done $0x0  }
0x86: {  	[sflag:s16] =	ssyncadd.s32 $0xFFFFC000  }
0x87: {  	_ =	swait.ge [sflag:s16], $0x4000  }
0x88: {  	[sflag:s16] =	ssyncset.done $0x0  }
0x89: {  	s20 =	rddreg [dreg:$0xf];
	[sflag:s16] =	ssyncadd.s32 $0xFFFFC000  }
0x8a: {  	[hbm4b:s20+s1] =	stream.linear.scatter [tilespmem:s14], [sflag:$0x7], $0x8000, $0x38;
	[tilespmem:$0x1A740] =	vst v63  }
0x8b: {  	_ =	swait.ge [sflag:s9], $0x8000  }
0x8c: {  	[sflag:s9] =	ssyncset.done $0x0  }
0x8d: {  	[sflag:s9] =	ssyncadd.s32 $0xFFFF8000  }
0x8e: {  	[tilespmem:s14], [sflag:$0x4] =	stream.indirect.gather [hbm4b:s29+s8], $0x80, s28, s8, $0xb8;
	[tilespmem:$0x1A740] =	vst v63  }
0x8f: {  	_ = 	snop  }
0x90: {  	[tilespmem:s0], [sflag:$0x4] =	stream.indirect.gather [hbm4b:s29+s8], $0x80, s3, s8, $0xb8;
	[tilespmem:$0x1A740] =	vst v63  }
0x91: {  	_ =	swait.ge [sflag:s13], $0x4000  }
0x92: {  	[sflag:s13] =	ssyncset.done $0x0  }
0x93: {  	[sflag:s13] =	ssyncadd.s32 $0xFFFFC000  }
0x94: {  	_ =	swait.ge [sflag:s13], $0x4000  }
0x95: {  	[sflag:s13] =	ssyncset.done $0x0  }
0x96: {  	s21 =	rddreg [dreg:$0x10];
	[sflag:s13] =	ssyncadd.s32 $0xFFFFC000  }
0x97: {  	[hbm4b:s21+s1] =	stream.linear.scatter [tilespmem:s7], [sflag:$0x5], $0x8000, $0x38;
	[tilespmem:$0x1A740] =	vst v63  }
0x98: {  	_ =	swait.ge [sflag:s5], $0x8000  }
0x99: {  	[sflag:s5] =	ssyncset.done $0x0  }
0x9a: {  	[sflag:s5] =	ssyncadd.s32 $0xFFFF8000  }
0x9b: {  	[tilespmem:s7], [sflag:$0x2] =	stream.indirect.gather [hbm4b:s29+s8], $0x80, s24, s8, $0xb8;
	[tilespmem:$0x1A740] =	vst v63  }
0x9c: {  	_ = 	snop  }
0x9d: {  	[tilespmem:s19], [sflag:$0x2] =	stream.indirect.gather [hbm4b:s29+s8], $0x80, s26, s8, $0xb8;
	[tilespmem:$0x1A740] =	vst v63  }
0x9e: {  	_ =	swait.ge [sflag:s10], $0x4000  }
0x9f: {  	[sflag:s10] =	ssyncset.done $0x0  }
0xa0: {  	[sflag:s10] =	ssyncadd.s32 $0xFFFFC000  }
0xa1: {  	_ =	swait.ge [sflag:s10], $0x4000  }
0xa2: {  	[sflag:s10] =	ssyncset.done $0x0  }
0xa3: {  	s24 =	rddreg [dreg:$0x11];
	[sflag:s10] =	ssyncadd.s32 $0xFFFFC000  }
0xa4: {  	[hbm4b:s24+s1] =	stream.linear.scatter [tilespmem:s6], [sflag:$0x6], $0x8000, $0x38;
	[tilespmem:$0x1A740] =	vst v63  }
0xa5: {  	_ =	swait.ge [sflag:s4], $0x8000  }
0xa6: {  	[sflag:s4] =	ssyncset.done $0x0  }
0xa7: {  	[sflag:s4] =	ssyncadd.s32 $0xFFFF8000  }
0xa8: {  	[tilespmem:s6], [sflag:$0x3] =	stream.indirect.gather [spmem:s2], $0x80, s25, s8, $0xb8;
	[tilespmem:$0x1A740] =	vst v63  }
0xa9: {  	s17 =	simm.s32 $0xC800  }
0xaa: {  	[tilespmem:s17], [sflag:$0x3] =	stream.indirect.gather [spmem:s2], $0x80, s23, s8, $0xb8;
	[tilespmem:$0x1A740] =	vst v63  }
0xab: {  	_ =	swait.ge [sflag:s16], $0x4000  }
0xac: {  	[sflag:s16] =	ssyncset.done $0x0  }
0xad: {  	[sflag:s16] =	ssyncadd.s32 $0xFFFFC000  }
0xae: {  	_ =	swait.ge [sflag:s16], $0x4000  }
0xaf: {  	[sflag:s16] =	ssyncset.done $0x0  }
0xb0: {  	s26 =	rddreg [dreg:$0x12];
	[sflag:s16] =	ssyncadd.s32 $0xFFFFC000  }
0xb1: {  	[hbm4b:s26+s1] =	stream.linear.scatter [tilespmem:s14], [sflag:$0x7], $0x8000, $0x38;
	[tilespmem:$0x1A740] =	vst v63  }
0xb2: {  	_ =	swait.ge [sflag:s13], $0x4000  }
0xb3: {  	[sflag:s13] =	ssyncset.done $0x0  }
0xb4: {  	[sflag:s13] =	ssyncadd.s32 $0xFFFFC000  }
0xb5: {  	_ =	swait.ge [sflag:s13], $0x4000  }
0xb6: {  	[sflag:s13] =	ssyncset.done $0x0  }
0xb7: {  	s28 =	rddreg [dreg:$0x13];
	[sflag:s13] =	ssyncadd.s32 $0xFFFFC000  }
0xb8: {  	[hbm4b:s28+s1] =	stream.linear.scatter [tilespmem:s7], [sflag:$0x5], $0x8000, $0x38;
	[tilespmem:$0x1A740] =	vst v63  }
0xb9: {  	_ =	swait.ge [sflag:s10], $0x4000  }
0xba: {  	[sflag:s10] =	ssyncset.done $0x0  }
0xbb: {  	[sflag:s10] =	ssyncadd.s32 $0xFFFFC000  }
0xbc: {  	_ =	swait.ge [sflag:s10], $0x4000  }
0xbd: {  	[sflag:s10] =	ssyncset.done $0x0  }
0xbe: {  	s30 =	rddreg [dreg:$0x14];
	[sflag:s10] =	ssyncadd.s32 $0xFFFFC000  }
0xbf: {  	[hbm4b:s30+s1] =	stream.linear.scatter [tilespmem:s6], [sflag:$0x6], $0x8000, $0x38;
	[tilespmem:$0x1A740] =	vst v63  }
0xc0: {  	_ =	swait.ge [sflag:s9], $0x8000  }
0xc1: {  	[sflag:s9] =	ssyncset.done $0x0  }
0xc2: {  	[sflag:s9] =	ssyncadd.s32 $0xFFFF8000  }
0xc3: {  	_ =	swait.ge [sflag:s5], $0x8000  }
0xc4: {  	s31 =	sld [smem:$0x7F9];
	_ =	sdelay $0x2  }
0xc5: {  	s22 =	sadd.s32 $0xFFFFFFFF, s31  }
0xc6: {  	p2 =	sne.s32 s22, $0x0  }
.Ltmp1:
0xc7: {  	_ = 	snop;
	(pc) =	sbr.rel @!p2 .LBB2_6-.Ltmp1, $4  }
0xc8: {  	[sflag:s5] =	ssyncset.done $0x0  }
0xc9: {  	[sflag:s5] =	ssyncadd.s32 $0xFFFF8000  }
0xca: {  	_ =	swait.ge [sflag:s4], $0x8000  }
0xcb: {  	p1 =	por $0x1, $0x1;
	[sflag:s4] =	ssyncset.done $0x0  }
0xcc: {  	s26 =	simm.s32 $0x200  }
0xcd: {  	s31 =	simm.s32 $0x400;
	s21 =	simm.s32 $0x10800;
	s3 =	simm.s32 $0x5  }
0xce: {  	s28 =	simm.s32 $0x4800;
	s11 =	simm.s32 $0x700;
	s30 =	simm.s32 $0x780  }
.LBB2_3:
0xcf: {  	s12 =	sld [smem:$0x7F8];
	_ =	sdelay $0x1  }
0xd0: {  	s23 =	rddreg [dreg:$0x15];
	[sflag:s4] =	ssyncadd.s32 $0xFFFF8000  }
0xd1: {  	[tilespmem:s1], [sflag:$0x1] =	stream.linear.gather [hbm4b:s12+s1], $0x80, $0x38;
	[tilespmem:$0x1A740] =	vst v63  }
0xd2: {  	s24 =	rddreg [dreg:$0x16]  }
0xd3: {  	[tilespmem:s26], [sflag:$0x1] =	stream.linear.gather [hbm4b:s23+s1], $0x80, $0x38;
	[tilespmem:$0x1A740] =	vst v63  }
0xd4: {  	s17 =	sld [smem:$0x7F7]  }
0xd5: {  	[tilespmem:s31], [sflag:$0x1] =	stream.linear.gather [hbm4b:s24+s1], $0x80, $0x38;
	[tilespmem:$0x1A740] =	vst v63  }
0xd6: {  	s14 =	simm.s32 $0x600;
	s12 =	rddreg [dreg:$0x17]  }
0xd7: {  	[tilespmem:s14], [sflag:$0x1] =	stream.linear.gather [hbm4b:s12+s1], $0x80, $0x38;
	[tilespmem:$0x1A740] =	vst v63  }
0xd8: {  	_ = 	snop  }
0xd9: {  	[tilespmem:s8], [sflag:$0x1] =	stream.linear.gather [hbm4b:s17+s1], $0x80, $0x38;
	[tilespmem:$0x1A740] =	vst v63  }
0xda: {  	s15 =	rddreg [dreg:$0x18];
	s12 =	simm.s32 $0x280  }
0xdb: {  	[tilespmem:s12], [sflag:$0x1] =	stream.linear.gather [hbm4b:s15+s1], $0x80, $0x38;
	[tilespmem:$0x1A740] =	vst v63  }
0xdc: {  	s19 =	rddreg [dreg:$0x19]  }
0xdd: {  	[tilespmem:s25], [sflag:$0x1] =	stream.linear.gather [hbm4b:s19+s1], $0x80, $0x38;
	[tilespmem:$0x1A740] =	vst v63  }
0xde: {  	s20 =	rddreg [dreg:$0x1a];
	s0 =	simm.s32 $0x680  }
0xdf: {  	[tilespmem:s0], [sflag:$0x1] =	stream.linear.gather [hbm4b:s20+s1], $0x80, $0x38;
	[tilespmem:$0x1A740] =	vst v63  }
0xe0: {  	s0 =	sld [smem:$0x7FA];
	_ =	sdelay $0x1  }
0xe1: {  	s6 =	rddreg [dreg:$0x1c];
	s20 =	simm.s32 $0x100  }
0xe2: {  	[tilespmem:s20], [sflag:$0x1] =	stream.linear.gather [hbm4b:s0+s1], $0x80, $0x38;
	[tilespmem:$0x1A740] =	vst v63  }
0xe3: {  	s23 =	rddreg [dreg:$0x1b];
	s25 =	simm.s32 $0x300  }
0xe4: {  	[tilespmem:s25], [sflag:$0x1] =	stream.linear.gather [hbm4b:s23+s1], $0x80, $0x38;
	[tilespmem:$0x1A740] =	vst v63  }
0xe5: {  	s0 =	simm.s32 $0x500;
	s25 =	rddreg [dreg:$0x1d]  }
0xe6: {  	[tilespmem:s0], [sflag:$0x1] =	stream.linear.gather [hbm4b:s6+s1], $0x80, $0x38;
	[tilespmem:$0x1A740] =	vst v63  }
0xe7: {  	s6 =	sld [smem:$0x7FB]  }
0xe8: {  	[tilespmem:s11], [sflag:$0x1] =	stream.linear.gather [hbm4b:s25+s1], $0x80, $0x38;
	[tilespmem:$0x1A740] =	vst v63  }
0xe9: {  	s17 =	simm.s32 $0x180;
	s23 =	rddreg [dreg:$0x1e]  }
0xea: {  	[tilespmem:s17], [sflag:$0x1] =	stream.linear.gather [hbm4b:s6+s1], $0x80, $0x38;
	[tilespmem:$0x1A740] =	vst v63  }
0xeb: {  	s15 =	simm.s32 $0x380;
	s25 =	rddreg [dreg:$0x1f]  }
0xec: {  	[tilespmem:s15], [sflag:$0x1] =	stream.linear.gather [hbm4b:s23+s1], $0x80, $0x38;
	[tilespmem:$0x1A740] =	vst v63  }
0xed: {  	s17 =	sld [smem:$0x7FC];
	s6 =	simm.s32 $0x580  }
0xee: {  	[tilespmem:s6], [sflag:$0x1] =	stream.linear.gather [hbm4b:s25+s1], $0x80, $0x38;
	[tilespmem:$0x1A740] =	vst v63  }
0xef: {  	s15 =	sld [smem:$0x7FD]  }
0xf0: {  	[tilespmem:s30], [sflag:$0x1] =	stream.linear.gather [hbm4b:s17+s1], $0x80, $0x38;
	[tilespmem:$0x1A740] =	vst v63  }
0xf1: {  	s24 =	rddreg [dreg:$0xc];
	s17 =	simm.s32 @!p0 $0x1C08  }
0xf2: {  	[spmem:s15], [sflag:s17] =	dma.local @!p0 [hbm:s24], $0x3E80  }
0xf3: {  	s15 =	simm.s32 @!p0 $0x8  }
0xf4: {  	_ =	swait.ge @!p0 [sflag:s15], $0x3E80  }
0xf5: {  	[sflag:s15] =	ssyncset.done @!p0 $0x0  }
0xf6: {  	[sflag:s15] =	ssyncadd.s32 @!p0 $0xFFFFC180  }
0xf7: {  	_ =	swait.ge [sflag:s18], $0x200  }
0xf8: {  	[sflag:s18] =	ssyncset.done $0x0  }
0xf9: {  	[sflag:s18] =	ssyncadd.s32 $0xFFFFFE00  }
0xfa: {  	_ =	swait.ge [sflag:s18], $0x200  }
0xfb: {  	[sflag:s18] =	ssyncset.done $0x0  }
0xfc: {  	[sflag:s18] =	ssyncadd.s32 $0xFFFFFE00  }
0xfd: {  	_ =	swait.ge [sflag:s18], $0x200  }
0xfe: {  	[sflag:s18] =	ssyncset.done $0x0  }
0xff: {  	[sflag:s18] =	ssyncadd.s32 $0xFFFFFE00  }
0x100: {  	_ =	swait.ge [sflag:s18], $0x200  }
0x101: {  	[sflag:s18] =	ssyncset.done $0x0  }
0x102: {  	s9 =	simm.s32 $0x800;
	[sflag:s18] =	ssyncadd.s32 $0xFFFFFE00  }
0x103: {  	[tilespmem:s9], [sflag:$0x2] =	stream.indirect.gather [hbm4b:s29+s8], $0x80, s1, s8, $0xb8;
	[tilespmem:$0x1A740] =	vst v63  }
0x104: {  	_ = 	snop  }
0x105: {  	[tilespmem:s28], [sflag:$0x2] =	stream.indirect.gather [hbm4b:s29+s8], $0x80, s26, s8, $0xb8;
	[tilespmem:$0x1A740] =	vst v63  }
0x106: {  	s7 =	simm.s32 $0x8800  }
0x107: {  	[tilespmem:s7], [sflag:$0x3] =	stream.indirect.gather [hbm4b:s29+s8], $0x80, s20, s8, $0xb8;
	[tilespmem:$0x1A740] =	vst v63  }
0x108: {  	s19 =	simm.s32 $0xC800;
	s24 =	simm.s32 $0x300  }
0x109: {  	[tilespmem:s19], [sflag:$0x3] =	stream.indirect.gather [hbm4b:s29+s8], $0x80, s24, s8, $0xb8;
	[tilespmem:$0x1A740] =	vst v63  }
0x10a: {  	s15 =	simm.s32 $0x180  }
0x10b: {  	[tilespmem:s21], [sflag:$0x4] =	stream.indirect.gather [hbm4b:s29+s8], $0x80, s15, s8, $0xb8;
	[tilespmem:$0x1A740] =	vst v63  }
0x10c: {  	s17 =	simm.s32 $0x380;
	s24 =	simm.s32 $0x14800  }
0x10d: {  	[tilespmem:s24], [sflag:$0x4] =	stream.indirect.gather [hbm4b:s29+s8], $0x80, s17, s8, $0xb8;
	[tilespmem:$0x1A740] =	vst v63  }
0x10e: {  	_ =	swait.ge [sflag:s13], $0x4000  }
0x10f: {  	[sflag:s13] =	ssyncset.done $0x0  }
0x110: {  	[sflag:s13] =	ssyncadd.s32 $0xFFFFC000  }
0x111: {  	_ =	swait.ge [sflag:s13], $0x4000  }
0x112: {  	[sflag:s13] =	ssyncset.done $0x0  }
0x113: {  	s20 =	rddreg [dreg:$0xd];
	[sflag:s13] =	ssyncadd.s32 $0xFFFFC000  }
0x114: {  	[hbm4b:s20+s1] =	stream.linear.scatter [tilespmem:s9], [sflag:$0x5], $0x8000, $0x38;
	[tilespmem:$0x1A740] =	vst v63  }
0x115: {  	[bflag:$0x0] =	sbarrier.arrive $0xFFFF  }
0x116: {  	_ =	swait.ge [sflag:s3], $0x8000  }
0x117: {  	[sflag:s3] =	ssyncset.done $0x0  }
0x118: {  	[sflag:s3] =	ssyncadd.s32 $0xFFFF8000  }
0x119: {  	[tilespmem:s9], [sflag:$0x2] =	stream.indirect.gather [spmem:s2], $0x80, s8, s8, $0xb8;
	[tilespmem:$0x1A740] =	vst v63  }
0x11a: {  	s19 =	simm.s32 $0x4800  }
0x11b: {  	[tilespmem:s19], [sflag:$0x2] =	stream.indirect.gather [spmem:s2], $0x80, s12, s8, $0xb8;
	[tilespmem:$0x1A740] =	vst v63  }
0x11c: {  	_ =	swait.ge [sflag:s10], $0x4000  }
0x11d: {  	[sflag:s10] =	ssyncset.done $0x0  }
0x11e: {  	[sflag:s10] =	ssyncadd.s32 $0xFFFFC000  }
0x11f: {  	_ =	swait.ge [sflag:s10], $0x4000  }
0x120: {  	[sflag:s10] =	ssyncset.done $0x0  }
0x121: {  	s5 =	simm.s32 $0x6;
	s17 =	rddreg [dreg:$0xe];
	[sflag:s10] =	ssyncadd.s32 $0xFFFFC000  }
0x122: {  	[hbm4b:s17+s1] =	stream.linear.scatter [tilespmem:s7], [sflag:$0x6], $0x8000, $0x38;
	[tilespmem:$0x1A740] =	vst v63  }
0x123: {  	_ =	swait.ge [sflag:s5], $0x8000  }
0x124: {  	[sflag:s5] =	ssyncset.done $0x0  }
0x125: {  	[sflag:s5] =	ssyncadd.s32 $0xFFFF8000  }
0x126: {  	[tilespmem:s7], [sflag:$0x3] =	stream.indirect.gather [hbm4b:s29+s8], $0x80, s31, s8, $0xb8;
	[tilespmem:$0x1A740] =	vst v63  }
0x127: {  	s15 =	simm.s32 $0xC800  }
0x128: {  	[tilespmem:s15], [sflag:$0x3] =	stream.indirect.gather [hbm4b:s29+s8], $0x80, s14, s8, $0xb8;
	[tilespmem:$0x1A740] =	vst v63  }
0x129: {  	_ =	swait.ge [sflag:s16], $0x4000  }
0x12a: {  	[sflag:s16] =	ssyncset.done $0x0  }
0x12b: {  	[sflag:s16] =	ssyncadd.s32 $0xFFFFC000  }
0x12c: {  	_ =	swait.ge [sflag:s16], $0x4000  }
0x12d: {  	s4 =	simm.s32 $0x7;
	[sflag:s16] =	ssyncset.done $0x0  }
0x12e: {  	s14 =	simm.s32 $0x10800;
	s20 =	rddreg [dreg:$0xf];
	[sflag:s16] =	ssyncadd.s32 $0xFFFFC000  }
0x12f: {  	[hbm4b:s20+s1] =	stream.linear.scatter [tilespmem:s14], [sflag:$0x7], $0x8000, $0x38;
	[tilespmem:$0x1A740] =	vst v63  }
0x130: {  	_ =	swait.ge [sflag:s4], $0x8000  }
0x131: {  	[sflag:s4] =	ssyncset.done $0x0  }
0x132: {  	[sflag:s4] =	ssyncadd.s32 $0xFFFF8000  }
0x133: {  	[tilespmem:s14], [sflag:$0x4] =	stream.indirect.gather [hbm4b:s29+s8], $0x80, s0, s8, $0xb8;
	[tilespmem:$0x1A740] =	vst v63  }
0x134: {  	_ = 	snop  }
0x135: {  	[tilespmem:s24], [sflag:$0x4] =	stream.indirect.gather [hbm4b:s29+s8], $0x80, s11, s8, $0xb8;
	[tilespmem:$0x1A740] =	vst v63  }
0x136: {  	_ =	swait.ge [sflag:s13], $0x4000  }
0x137: {  	[sflag:s13] =	ssyncset.done $0x0  }
0x138: {  	[sflag:s13] =	ssyncadd.s32 $0xFFFFC000  }
0x139: {  	_ =	swait.ge [sflag:s13], $0x4000  }
0x13a: {  	[sflag:s13] =	ssyncset.done $0x0  }
0x13b: {  	s5 =	simm.s32 $0x5;
	s0 =	rddreg [dreg:$0x10];
	[sflag:s13] =	ssyncadd.s32 $0xFFFFC000  }
0x13c: {  	[hbm4b:s0+s1] =	stream.linear.scatter [tilespmem:s9], [sflag:$0x5], $0x8000, $0x38;
	[tilespmem:$0x1A740] =	vst v63  }
0x13d: {  	_ =	swait.ge [sflag:s5], $0x8000  }
0x13e: {  	[sflag:s5] =	ssyncset.done $0x0  }
0x13f: {  	[sflag:s5] =	ssyncadd.s32 $0xFFFF8000  }
0x140: {  	[tilespmem:s9], [sflag:$0x2] =	stream.indirect.gather [hbm4b:s29+s8], $0x80, s6, s8, $0xb8;
	[tilespmem:$0x1A740] =	vst v63  }
0x141: {  	_ = 	snop  }
0x142: {  	[tilespmem:s19], [sflag:$0x2] =	stream.indirect.gather [hbm4b:s29+s8], $0x80, s30, s8, $0xb8;
	[tilespmem:$0x1A740] =	vst v63  }
0x143: {  	_ =	swait.ge [sflag:s10], $0x4000  }
0x144: {  	[sflag:s10] =	ssyncset.done $0x0  }
0x145: {  	[sflag:s10] =	ssyncadd.s32 $0xFFFFC000  }
0x146: {  	_ =	swait.ge [sflag:s10], $0x4000  }
0x147: {  	[sflag:s10] =	ssyncset.done $0x0  }
0x148: {  	s4 =	simm.s32 $0x6;
	s6 =	rddreg [dreg:$0x11];
	[sflag:s10] =	ssyncadd.s32 $0xFFFFC000  }
0x149: {  	[hbm4b:s6+s1] =	stream.linear.scatter [tilespmem:s7], [sflag:$0x6], $0x8000, $0x38;
	[tilespmem:$0x1A740] =	vst v63  }
0x14a: {  	_ =	swait.ge [sflag:s4], $0x8000  }
0x14b: {  	[sflag:s4] =	ssyncset.done $0x0  }
0x14c: {  	s25 =	simm.s32 $0x480;
	[sflag:s4] =	ssyncadd.s32 $0xFFFF8000  }
0x14d: {  	[tilespmem:s7], [sflag:$0x3] =	stream.indirect.gather [spmem:s2], $0x80, s25, s8, $0xb8;
	[tilespmem:$0x1A740] =	vst v63  }
0x14e: {  	s12 =	simm.s32 $0x680  }
0x14f: {  	[tilespmem:s15], [sflag:$0x3] =	stream.indirect.gather [spmem:s2], $0x80, s12, s8, $0xb8;
	[tilespmem:$0x1A740] =	vst v63  }
0x150: {  	_ =	swait.ge [sflag:s16], $0x4000  }
0x151: {  	[sflag:s16] =	ssyncset.done $0x0  }
0x152: {  	[sflag:s16] =	ssyncadd.s32 $0xFFFFC000  }
0x153: {  	_ =	swait.ge [sflag:s16], $0x4000  }
0x154: {  	[sflag:s16] =	ssyncset.done $0x0  }
0x155: {  	s17 =	rddreg [dreg:$0x12];
	[sflag:s16] =	ssyncadd.s32 $0xFFFFC000  }
0x156: {  	[hbm4b:s17+s1] =	stream.linear.scatter [tilespmem:s14], [sflag:$0x7], $0x8000, $0x38;
	[tilespmem:$0x1A740] =	vst v63  }
0x157: {  	_ =	swait.ge [sflag:s13], $0x4000  }
0x158: {  	[sflag:s13] =	ssyncset.done $0x0  }
0x159: {  	[sflag:s13] =	ssyncadd.s32 $0xFFFFC000  }
0x15a: {  	_ =	swait.ge [sflag:s13], $0x4000  }
0x15b: {  	[sflag:s13] =	ssyncset.done $0x0  }
0x15c: {  	s7 =	simm.s32 $0x800;
	s20 =	rddreg [dreg:$0x13];
	[sflag:s13] =	ssyncadd.s32 $0xFFFFC000  }
0x15d: {  	[hbm4b:s20+s1] =	stream.linear.scatter [tilespmem:s7], [sflag:$0x5], $0x8000, $0x38;
	[tilespmem:$0x1A740] =	vst v63  }
0x15e: {  	_ =	swait.ge [sflag:s10], $0x4000  }
0x15f: {  	[sflag:s10] =	ssyncset.done $0x0  }
0x160: {  	[sflag:s10] =	ssyncadd.s32 $0xFFFFC000  }
0x161: {  	_ =	swait.ge [sflag:s10], $0x4000  }
0x162: {  	s9 =	simm.s32 $0x7;
	[sflag:s10] =	ssyncset.done $0x0  }
0x163: {  	s6 =	simm.s32 $0x8800;
	s24 =	rddreg [dreg:$0x14];
	[sflag:s10] =	ssyncadd.s32 $0xFFFFC000  }
0x164: {  	[hbm4b:s24+s1] =	stream.linear.scatter [tilespmem:s6], [sflag:$0x6], $0x8000, $0x38;
	[tilespmem:$0x1A740] =	vst v63  }
0x165: {  	_ =	swait.ge [sflag:s9], $0x8000  }
0x166: {  	s22 =	sadd.s32 $0xFFFFFFFF, s22;
	[sflag:s9] =	ssyncset.done $0x0  }
0x167: {  	p2 =	sne.s32 s22, $0x0;
	[sflag:s9] =	ssyncadd.s32 $0xFFFF8000  }
.Ltmp2:
0x168: {  	_ =	swait.ge [sflag:s5], $0x8000;
	(pc) =	sbr.rel @p2 .LBB2_3-.Ltmp2, $4  }
0x169: {  	[sflag:s5] =	ssyncset.done $0x0  }
0x16a: {  	[sflag:s5] =	ssyncadd.s32 $0xFFFF8000  }
0x16b: {  	_ =	swait.ge [sflag:s4], $0x8000  }
0x16c: {  	[sflag:s4] =	ssyncset.done $0x0  }
0x16d: {  	s23 =	simm.s32 $0x680  }
0x16e: {  	s24 =	simm.s32 $0x580;
	s26 =	simm.s32 $0x780;
	s28 =	simm.s32 $0x500  }
0x16f: {  	s3 =	simm.s32 $0x700;
	s30 =	simm.s32 $0x400;
	s0 =	sld [smem:$0x7F8]  }
0x170: {  	s31 =	simm.s32 $0x600;
	s11 =	simm.s32 $0x200;
	s22 =	sld [smem:$0x7F7]  }
.LBB2_5:
0x171: {  	[sflag:s4] =	ssyncadd.s32 @p1 $0xFFFF8000  }
0x172: {  	[tilespmem:s1], [sflag:$0x1] =	stream.linear.gather [hbm4b:s0+s1], $0x80, $0x38;
	[tilespmem:$0x1A740] =	vst v63  }
0x173: {  	s21 =	rddreg [dreg:$0x15]  }
0x174: {  	[tilespmem:s11], [sflag:$0x1] =	stream.linear.gather [hbm4b:s21+s1], $0x80, $0x38;
	[tilespmem:$0x1A740] =	vst v63  }
0x175: {  	s15 =	rddreg [dreg:$0x16]  }
0x176: {  	[tilespmem:s30], [sflag:$0x1] =	stream.linear.gather [hbm4b:s15+s1], $0x80, $0x38;
	[tilespmem:$0x1A740] =	vst v63  }
0x177: {  	s17 =	rddreg [dreg:$0x17]  }
0x178: {  	[tilespmem:s31], [sflag:$0x1] =	stream.linear.gather [hbm4b:s17+s1], $0x80, $0x38;
	[tilespmem:$0x1A740] =	vst v63  }
0x179: {  	s20 =	rddreg [dreg:$0x18]  }
0x17a: {  	[tilespmem:s8], [sflag:$0x1] =	stream.linear.gather [hbm4b:s22+s1], $0x80, $0x38;
	[tilespmem:$0x1A740] =	vst v63  }
0x17b: {  	s12 =	simm.s32 $0x280;
	s21 =	rddreg [dreg:$0x19]  }
0x17c: {  	[tilespmem:s12], [sflag:$0x1] =	stream.linear.gather [hbm4b:s20+s1], $0x80, $0x38;
	[tilespmem:$0x1A740] =	vst v63  }
0x17d: {  	s17 =	sld [smem:$0x7FA]  }
0x17e: {  	[tilespmem:s25], [sflag:$0x1] =	stream.linear.gather [hbm4b:s21+s1], $0x80, $0x38;
	[tilespmem:$0x1A740] =	vst v63  }
0x17f: {  	s22 =	rddreg [dreg:$0x1a]  }
0x180: {  	[tilespmem:s23], [sflag:$0x1] =	stream.linear.gather [hbm4b:s22+s1], $0x80, $0x38;
	[tilespmem:$0x1A740] =	vst v63  }
0x181: {  	s20 =	simm.s32 $0x100  }
0x182: {  	[tilespmem:s20], [sflag:$0x1] =	stream.linear.gather [hbm4b:s17+s1], $0x80, $0x38;
	[tilespmem:$0x1A740] =	vst v63  }
0x183: {  	s0 =	rddreg [dreg:$0x1b];
	s21 =	simm.s32 $0x300  }
0x184: {  	[tilespmem:s21], [sflag:$0x1] =	stream.linear.gather [hbm4b:s0+s1], $0x80, $0x38;
	[tilespmem:$0x1A740] =	vst v63  }
0x185: {  	s11 =	rddreg [dreg:$0x1c]  }
0x186: {  	[tilespmem:s28], [sflag:$0x1] =	stream.linear.gather [hbm4b:s11+s1], $0x80, $0x38;
	[tilespmem:$0x1A740] =	vst v63  }
0x187: {  	s17 =	rddreg [dreg:$0x1d]  }
0x188: {  	[tilespmem:s3], [sflag:$0x1] =	stream.linear.gather [hbm4b:s17+s1], $0x80, $0x38;
	[tilespmem:$0x1A740] =	vst v63  }
0x189: {  	s17 =	sld [smem:$0x7FB];
	_ =	sdelay $0x1  }
0x18a: {  	s22 =	simm.s32 $0x180;
	s0 =	rddreg [dreg:$0x1e]  }
0x18b: {  	[tilespmem:s22], [sflag:$0x1] =	stream.linear.gather [hbm4b:s17+s1], $0x80, $0x38;
	[tilespmem:$0x1A740] =	vst v63  }
0x18c: {  	s15 =	simm.s32 $0x380;
	s11 =	rddreg [dreg:$0x1f]  }
0x18d: {  	[tilespmem:s15], [sflag:$0x1] =	stream.linear.gather [hbm4b:s0+s1], $0x80, $0x38;
	[tilespmem:$0x1A740] =	vst v63  }
0x18e: {  	s17 =	sld [smem:$0x7FC]  }
0x18f: {  	[tilespmem:s24], [sflag:$0x1] =	stream.linear.gather [hbm4b:s11+s1], $0x80, $0x38;
	[tilespmem:$0x1A740] =	vst v63  }
0x190: {  	_ = 	snop  }
0x191: {  	[tilespmem:s26], [sflag:$0x1] =	stream.linear.gather [hbm4b:s17+s1], $0x80, $0x38;
	[tilespmem:$0x1A740] =	vst v63  }
0x192: {  	s17 =	sld [smem:$0x7FD];
	_ =	sdelay $0x1  }
0x193: {  	s0 =	simm.s32 @!p0 $0x1C08;
	s11 =	rddreg [dreg:$0xc]  }
0x194: {  	[spmem:s17], [sflag:s0] =	dma.local @!p0 [hbm:s11], $0x3E80  }
0x195: {  	s0 =	simm.s32 @!p0 $0x8  }
0x196: {  	_ =	swait.ge @!p0 [sflag:s0], $0x3E80  }
0x197: {  	[sflag:s0] =	ssyncset.done @!p0 $0x0  }
0x198: {  	[sflag:s0] =	ssyncadd.s32 @!p0 $0xFFFFC180  }
0x199: {  	_ =	swait.ge [sflag:s18], $0x200  }
0x19a: {  	[sflag:s18] =	ssyncset.done $0x0  }
0x19b: {  	[sflag:s18] =	ssyncadd.s32 $0xFFFFFE00  }
0x19c: {  	_ =	swait.ge [sflag:s18], $0x200  }
0x19d: {  	[sflag:s18] =	ssyncset.done $0x0  }
0x19e: {  	[sflag:s18] =	ssyncadd.s32 $0xFFFFFE00  }
0x19f: {  	_ =	swait.ge [sflag:s18], $0x200  }
0x1a0: {  	[sflag:s18] =	ssyncset.done $0x0  }
0x1a1: {  	[sflag:s18] =	ssyncadd.s32 $0xFFFFFE00  }
0x1a2: {  	_ =	swait.ge [sflag:s18], $0x200  }
0x1a3: {  	[sflag:s18] =	ssyncset.done $0x0  }
0x1a4: {  	[sflag:s18] =	ssyncadd.s32 $0xFFFFFE00  }
0x1a5: {  	[tilespmem:s7], [sflag:$0x2] =	stream.indirect.gather [hbm4b:s29+s8], $0x80, s1, s8, $0xb8;
	[tilespmem:$0x1A740] =	vst v63  }
0x1a6: {  	s18 =	simm.s32 $0x200  }
0x1a7: {  	[tilespmem:s19], [sflag:$0x2] =	stream.indirect.gather [hbm4b:s29+s8], $0x80, s18, s8, $0xb8;
	[tilespmem:$0x1A740] =	vst v63  }
0x1a8: {  	_ = 	snop  }
0x1a9: {  	[tilespmem:s6], [sflag:$0x3] =	stream.indirect.gather [hbm4b:s29+s8], $0x80, s20, s8, $0xb8;
	[tilespmem:$0x1A740] =	vst v63  }
0x1aa: {  	s20 =	simm.s32 $0xC800  }
0x1ab: {  	[tilespmem:s20], [sflag:$0x3] =	stream.indirect.gather [hbm4b:s29+s8], $0x80, s21, s8, $0xb8;
	[tilespmem:$0x1A740] =	vst v63  }
0x1ac: {  	_ = 	snop  }
0x1ad: {  	[tilespmem:s14], [sflag:$0x4] =	stream.indirect.gather [hbm4b:s29+s8], $0x80, s22, s8, $0xb8;
	[tilespmem:$0x1A740] =	vst v63  }
0x1ae: {  	s22 =	simm.s32 $0x14800  }
0x1af: {  	[tilespmem:s22], [sflag:$0x4] =	stream.indirect.gather [hbm4b:s29+s8], $0x80, s15, s8, $0xb8;
	[tilespmem:$0x1A740] =	vst v63  }
0x1b0: {  	_ =	swait.ge [sflag:s13], $0x4000  }
0x1b1: {  	[sflag:s13] =	ssyncset.done $0x0  }
0x1b2: {  	[sflag:s13] =	ssyncadd.s32 $0xFFFFC000  }
0x1b3: {  	_ =	swait.ge [sflag:s13], $0x4000  }
0x1b4: {  	[sflag:s13] =	ssyncset.done $0x0  }
0x1b5: {  	s15 =	rddreg [dreg:$0xd];
	[sflag:s13] =	ssyncadd.s32 $0xFFFFC000  }
0x1b6: {  	[hbm4b:s15+s1] =	stream.linear.scatter [tilespmem:s7], [sflag:$0x5], $0x8000, $0x38;
	[tilespmem:$0x1A740] =	vst v63  }
0x1b7: {  	[bflag:$0x0] =	sbarrier.arrive $0xFFFF  }
0x1b8: {  	_ =	swait.ge [sflag:s5], $0x8000  }
0x1b9: {  	[sflag:s5] =	ssyncset.done $0x0  }
0x1ba: {  	[sflag:s5] =	ssyncadd.s32 $0xFFFF8000  }
0x1bb: {  	[tilespmem:s7], [sflag:$0x2] =	stream.indirect.gather [spmem:s2], $0x80, s8, s8, $0xb8;
	[tilespmem:$0x1A740] =	vst v63  }
0x1bc: {  	_ = 	snop  }
0x1bd: {  	[tilespmem:s19], [sflag:$0x2] =	stream.indirect.gather [spmem:s2], $0x80, s12, s8, $0xb8;
	[tilespmem:$0x1A740] =	vst v63  }
0x1be: {  	_ =	swait.ge [sflag:s10], $0x4000  }
0x1bf: {  	[sflag:s10] =	ssyncset.done $0x0  }
0x1c0: {  	[sflag:s10] =	ssyncadd.s32 $0xFFFFC000  }
0x1c1: {  	_ =	swait.ge [sflag:s10], $0x4000  }
0x1c2: {  	[sflag:s10] =	ssyncset.done $0x0  }
0x1c3: {  	s18 =	rddreg [dreg:$0xe];
	[sflag:s10] =	ssyncadd.s32 $0xFFFFC000  }
0x1c4: {  	[hbm4b:s18+s1] =	stream.linear.scatter [tilespmem:s6], [sflag:$0x6], $0x8000, $0x38;
	[tilespmem:$0x1A740] =	vst v63  }
0x1c5: {  	_ =	swait.ge [sflag:s4], $0x8000  }
0x1c6: {  	[sflag:s4] =	ssyncset.done $0x0  }
0x1c7: {  	[sflag:s4] =	ssyncadd.s32 $0xFFFF8000  }
0x1c8: {  	[tilespmem:s6], [sflag:$0x3] =	stream.indirect.gather [hbm4b:s29+s8], $0x80, s30, s8, $0xb8;
	[tilespmem:$0x1A740] =	vst v63  }
0x1c9: {  	_ = 	snop  }
0x1ca: {  	[tilespmem:s20], [sflag:$0x3] =	stream.indirect.gather [hbm4b:s29+s8], $0x80, s31, s8, $0xb8;
	[tilespmem:$0x1A740] =	vst v63  }
0x1cb: {  	_ =	swait.ge [sflag:s16], $0x4000  }
0x1cc: {  	[sflag:s16] =	ssyncset.done $0x0  }
0x1cd: {  	[sflag:s16] =	ssyncadd.s32 $0xFFFFC000  }
0x1ce: {  	_ =	swait.ge [sflag:s16], $0x4000  }
0x1cf: {  	[sflag:s16] =	ssyncset.done $0x0  }
0x1d0: {  	s21 =	rddreg [dreg:$0xf];
	[sflag:s16] =	ssyncadd.s32 $0xFFFFC000  }
0x1d1: {  	[hbm4b:s21+s1] =	stream.linear.scatter [tilespmem:s14], [sflag:$0x7], $0x8000, $0x38;
	[tilespmem:$0x1A740] =	vst v63  }
0x1d2: {  	_ =	swait.ge [sflag:s9], $0x8000  }
0x1d3: {  	[sflag:s9] =	ssyncset.done $0x0  }
0x1d4: {  	[sflag:s9] =	ssyncadd.s32 $0xFFFF8000  }
0x1d5: {  	[tilespmem:s14], [sflag:$0x4] =	stream.indirect.gather [hbm4b:s29+s8], $0x80, s28, s8, $0xb8;
	[tilespmem:$0x1A740] =	vst v63  }
0x1d6: {  	_ = 	snop  }
0x1d7: {  	[tilespmem:s22], [sflag:$0x4] =	stream.indirect.gather [hbm4b:s29+s8], $0x80, s3, s8, $0xb8;
	[tilespmem:$0x1A740] =	vst v63  }
0x1d8: {  	_ =	swait.ge [sflag:s13], $0x4000  }
0x1d9: {  	[sflag:s13] =	ssyncset.done $0x0  }
0x1da: {  	[sflag:s13] =	ssyncadd.s32 $0xFFFFC000  }
0x1db: {  	_ =	swait.ge [sflag:s13], $0x4000  }
0x1dc: {  	[sflag:s13] =	ssyncset.done $0x0  }
0x1dd: {  	s22 =	rddreg [dreg:$0x10];
	[sflag:s13] =	ssyncadd.s32 $0xFFFFC000  }
0x1de: {  	[hbm4b:s22+s1] =	stream.linear.scatter [tilespmem:s7], [sflag:$0x5], $0x8000, $0x38;
	[tilespmem:$0x1A740] =	vst v63  }
0x1df: {  	_ =	swait.ge [sflag:s5], $0x8000  }
0x1e0: {  	[sflag:s5] =	ssyncset.done $0x0  }
0x1e1: {  	[sflag:s5] =	ssyncadd.s32 $0xFFFF8000  }
0x1e2: {  	[tilespmem:s7], [sflag:$0x2] =	stream.indirect.gather [hbm4b:s29+s8], $0x80, s24, s8, $0xb8;
	[tilespmem:$0x1A740] =	vst v63  }
0x1e3: {  	_ = 	snop  }
0x1e4: {  	[tilespmem:s19], [sflag:$0x2] =	stream.indirect.gather [hbm4b:s29+s8], $0x80, s26, s8, $0xb8;
	[tilespmem:$0x1A740] =	vst v63  }
0x1e5: {  	_ =	swait.ge [sflag:s10], $0x4000  }
0x1e6: {  	[sflag:s10] =	ssyncset.done $0x0  }
0x1e7: {  	[sflag:s10] =	ssyncadd.s32 $0xFFFFC000  }
0x1e8: {  	_ =	swait.ge [sflag:s10], $0x4000  }
0x1e9: {  	[sflag:s10] =	ssyncset.done $0x0  }
0x1ea: {  	s28 =	rddreg [dreg:$0x11];
	[sflag:s10] =	ssyncadd.s32 $0xFFFFC000  }
0x1eb: {  	[hbm4b:s28+s1] =	stream.linear.scatter [tilespmem:s6], [sflag:$0x6], $0x8000, $0x38;
	[tilespmem:$0x1A740] =	vst v63  }
0x1ec: {  	_ =	swait.ge [sflag:s4], $0x8000  }
0x1ed: {  	[sflag:s4] =	ssyncset.done $0x0  }
0x1ee: {  	[sflag:s4] =	ssyncadd.s32 $0xFFFF8000  }
0x1ef: {  	[tilespmem:s6], [sflag:$0x3] =	stream.indirect.gather [spmem:s2], $0x80, s25, s8, $0xb8;
	[tilespmem:$0x1A740] =	vst v63  }
0x1f0: {  	s20 =	simm.s32 $0xC800  }
0x1f1: {  	[tilespmem:s20], [sflag:$0x3] =	stream.indirect.gather [spmem:s2], $0x80, s23, s8, $0xb8;
	[tilespmem:$0x1A740] =	vst v63  }
0x1f2: {  	_ =	swait.ge [sflag:s16], $0x4000  }
0x1f3: {  	[sflag:s16] =	ssyncset.done $0x0  }
0x1f4: {  	[sflag:s16] =	ssyncadd.s32 $0xFFFFC000  }
0x1f5: {  	_ =	swait.ge [sflag:s16], $0x4000  }
0x1f6: {  	[sflag:s16] =	ssyncset.done $0x0  }
0x1f7: {  	s29 =	rddreg [dreg:$0x12];
	[sflag:s16] =	ssyncadd.s32 $0xFFFFC000  }
0x1f8: {  	[hbm4b:s29+s1] =	stream.linear.scatter [tilespmem:s14], [sflag:$0x7], $0x8000, $0x38;
	[tilespmem:$0x1A740] =	vst v63  }
0x1f9: {  	_ =	swait.ge [sflag:s13], $0x4000  }
0x1fa: {  	[sflag:s13] =	ssyncset.done $0x0  }
0x1fb: {  	[sflag:s13] =	ssyncadd.s32 $0xFFFFC000  }
0x1fc: {  	_ =	swait.ge [sflag:s13], $0x4000  }
0x1fd: {  	[sflag:s13] =	ssyncset.done $0x0  }
0x1fe: {  	s30 =	rddreg [dreg:$0x13];
	[sflag:s13] =	ssyncadd.s32 $0xFFFFC000  }
0x1ff: {  	[hbm4b:s30+s1] =	stream.linear.scatter [tilespmem:s7], [sflag:$0x5], $0x8000, $0x38;
	[tilespmem:$0x1A740] =	vst v63  }
0x200: {  	_ =	swait.ge [sflag:s10], $0x4000  }
0x201: {  	[sflag:s10] =	ssyncset.done $0x0  }
0x202: {  	[sflag:s10] =	ssyncadd.s32 $0xFFFFC000  }
0x203: {  	_ =	swait.ge [sflag:s10], $0x4000  }
0x204: {  	[sflag:s10] =	ssyncset.done $0x0  }
0x205: {  	s31 =	rddreg [dreg:$0x14];
	[sflag:s10] =	ssyncadd.s32 $0xFFFFC000  }
0x206: {  	[hbm4b:s31+s1] =	stream.linear.scatter [tilespmem:s6], [sflag:$0x6], $0x8000, $0x38;
	[tilespmem:$0x1A740] =	vst v63  }
0x207: {  	_ =	swait.ge [sflag:s9], $0x8000  }
0x208: {  	[sflag:s9] =	ssyncset.done $0x0  }
0x209: {  	[sflag:s9] =	ssyncadd.s32 $0xFFFF8000  }
0x20a: {  	_ =	swait.ge [sflag:s5], $0x8000  }
0x20b: {  	[sflag:s5] =	ssyncset.done $0x0  }
0x20c: {  	[sflag:s5] =	ssyncadd.s32 $0xFFFF8000  }
0x20d: {  	_ =	swait.ge [sflag:s4], $0x8000  }
0x20e: {  	[sflag:s4] =	ssyncset.done $0x0  }
0x20f: {  	[sflag:s4] =	ssyncadd.s32 $0xFFFF8000  }
0x210: {  	_ =	sfence.sel $0x180000  }
0x211: {  	[bflag:$0x0] =	sbarrier.arrive $0xFFFF  }
0x212: {  	_ =	strace $0x90000047  }
0x213: {  	[bflag:$0x2] =	sbarrier.arrive $0xFFFF  }
0x214: {  	s0 =	rddreg [dreg:$0xb]  }
0x215: {  	s0 =	sadd.s32 @!p0 $0x100000, s0  }
0x216: {  	[sflag:s0] =	ssyncadd.tile.s32 @!p0 $0x1;
	_ =	shalt  }
.LBB2_6:
.Ltmp3:
0x217: {  	(pc) =	sbr.rel .LBB2_5-.Ltmp3, $4  }
0x218: {  	s23 =	simm.s32 $0x680  }
0x219: {  	s24 =	simm.s32 $0x580;
	s26 =	simm.s32 $0x780;
	s28 =	simm.s32 $0x500  }
0x21a: {  	s3 =	simm.s32 $0x700;
	s30 =	simm.s32 $0x400;
	s0 =	sld [smem:$0x7F8]  }
0x21b: {  	s31 =	simm.s32 $0x600;
	s11 =	simm.s32 $0x200;
	s22 =	sld [smem:$0x7F7]  }
.Lfunc_end2:
_tile_overlayer_lowered:
.L_overlay_start_2:
0x21c: {  	(tag) =	ssettag $0x2  }
0x21d: {  	s0 =	rddreg [dreg:$0x0];
	s2 =	stileid.u32  }
0x21e: {  	s1 =	rddreg [dreg:$0x1];
	p0 =	sne.s32 s2, $0x0  }
0x21f: {  	s3 =	rddreg [dreg:$0x2];
	[bflag:$0x3] =	sbarrier.arrive $0xFFFF;
	s2 =	simm.s32 @!p0 $0x1C08  }
0x220: {  	[timem:s3], [sflag:s2] =	dma.local @!p0 [hbm:s0], s1  }
0x221: {  	s0 =	simm.s32 @!p0 $0x8  }
0x222: {  	_ =	swait.ge @!p0 [sflag:s0], s1  }
0x223: {  	s1 =	ssub.s32 @!p0 $0x0, s1;
	[sflag:s0] =	ssyncset.done @!p0 $0x0  }
0x224: {  	[sflag:s0] =	ssyncadd.s32 @!p0 s1  }
0x225: {  	[bflag:$0x3] =	sbarrier.arrive $0xFFFF  }
0x226: {  	_ =	shalt  }

</sc_bundles>
